<compile_context>
chip_gen: v7x
topology: tpu7x:2x2x1
jax: 0.10.2.dev20260603
libtpu: 0.0.44.dev20260713+nightly
codegen_flags: <defaults>
</compile_context>

<pallas_src>
import functools

import jax
import jax.numpy as jnp
from jax import lax
from jax.experimental import pallas as pl
from jax.experimental.pallas import tpu as pltpu
from jax.experimental.pallas import tpu_sc as plsc

_DIM = 256
_CODES = 8192
_TBLK = 1024

_NC = 2
_NS = 16
_NW = _NC * _NS
_ICHUNK = 128


def _dist_argmin_body(nelem, x_ref, emb_ref, idx_ref, loss_ref,
                      e2_ref, acc_ref):
    step = pl.program_id(0)

    @pl.when(step == 0)
    def _init():
        e = emb_ref[...]
        e2_ref[...] = jnp.sum(e * e, axis=1, keepdims=True).reshape(1, _CODES)
        acc_ref[0] = 0.0

    xt = jnp.transpose(x_ref[0])
    mm = lax.dot_general(
        xt, emb_ref[...], (((1,), (1,)), ((), ())),
        preferred_element_type=jnp.float32)
    f2 = jnp.sum(xt * xt, axis=1, keepdims=True)
    dist = (f2 - 2.0 * mm) + e2_ref[...]
    minv = jnp.min(dist, axis=1)
    idx = jnp.argmin(dist, axis=1)
    idx_ref[0, 0, :] = idx
    acc_ref[0] += jnp.sum(minv)

    @pl.when(step == pl.num_programs(0) - 1)
    def _done():
        m = acc_ref[0] / jnp.float32(nelem)
        loss_ref[0, 0] = m + m


def _gather_body(rows_per_tile, emb_hbm, idx_hbm, out_hbm, idx_v, rows_v,
                 sem):
    wid = lax.axis_index("s") * _NC + lax.axis_index("c")
    base = wid * rows_per_tile
    nchunk = rows_per_tile // _ICHUNK
    for k in range(nchunk):
        pltpu.sync_copy(idx_hbm.at[pl.ds(base + k * _ICHUNK, _ICHUNK)],
                        idx_v.at[k])
    copies = [pltpu.async_copy(emb_hbm.at[idx_v.at[k]], rows_v.at[k], sem)
              for k in range(nchunk)]
    for c in copies:
        c.wait()
    for k in range(nchunk):
        pltpu.sync_copy(rows_v.at[k],
                        out_hbm.at[pl.ds(base + k * _ICHUNK, _ICHUNK)])


def _finish_body(x_ref, q_ref, out_ref):
    xb = x_ref[0]
    qt = jnp.transpose(q_ref[...])
    out_ref[0] = xb + (qt - xb)


def kernel(x, emb):
    B, C, T = x.shape
    tpb = T // _TBLK
    nsteps = B * tpb

    idx3, loss = pl.pallas_call(
        functools.partial(_dist_argmin_body, B * C * T),
        grid=(nsteps,),
        in_specs=[
            pl.BlockSpec((1, C, _TBLK), lambda i: (i // tpb, 0, i % tpb)),
            pl.BlockSpec((_CODES, C), lambda i: (0, 0)),
        ],
        out_specs=[
            pl.BlockSpec((1, 1, _TBLK), lambda i: (i, 0, 0)),
            pl.BlockSpec(memory_space=pltpu.SMEM),
        ],
        out_shape=[
            jax.ShapeDtypeStruct((nsteps, 1, _TBLK), jnp.int32),
            jax.ShapeDtypeStruct((1, 1), jnp.float32),
        ],
        scratch_shapes=[
            pltpu.VMEM((1, _CODES), jnp.float32),
            pltpu.SMEM((1,), jnp.float32),
        ],
        compiler_params=pltpu.CompilerParams(
            dimension_semantics=("arbitrary",)),
    )(x, emb)

    idx = idx3.reshape(-1)

    mesh = plsc.VectorSubcoreMesh(core_axis_name="c", subcore_axis_name="s")
    rows_per_tile = (B * T) // _NW
    nchunk = rows_per_tile // _ICHUNK
    gather = pl.kernel(
        functools.partial(_gather_body, rows_per_tile),
        mesh=mesh,
        out_type=jax.ShapeDtypeStruct((B * T, C), jnp.float32),
        scratch_types=[
            pltpu.VMEM((nchunk, _ICHUNK), jnp.int32),
            pltpu.VMEM((nchunk, _ICHUNK, C), jnp.float32),
            pltpu.SemaphoreType.DMA,
        ],
    )
    quant_flat = gather(emb, idx)

    quantized = pl.pallas_call(
        _finish_body,
        grid=(nsteps,),
        in_specs=[
            pl.BlockSpec((1, C, _TBLK), lambda i: (i // tpb, 0, i % tpb)),
            pl.BlockSpec((_TBLK, C), lambda i: (i, 0)),
        ],
        out_specs=pl.BlockSpec((1, C, _TBLK),
                               lambda i: (i // tpb, 0, i % tpb)),
        out_shape=jax.ShapeDtypeStruct((B, C, T), jnp.float32),
        compiler_params=pltpu.CompilerParams(
            dimension_semantics=("arbitrary",)),
    )(x, quant_flat)

    return (quantized, loss[0, 0])

# --- scband reference (transcript-rebuilt; emitter-appended) ---
"""Pipeline reference for scband-vector-quantizer-57466662420709 (READ-ONLY COPY).

The authoritative reference and input builder live on the scoring server;
editing this copy changes nothing except your own understanding.
"""

import jax, jax.numpy as jnp
import numpy as np

DIM = 256
NUM_CODES = 8192

def setup_inputs(seed: int = 0) -> dict:
    key = jax.random.key(seed)
    kx, ke = jax.random.split(key)
    x = jax.random.normal(kx, (8, DIM, 1024), dtype=jnp.float32)
    emb = jax.random.uniform(ke, (NUM_CODES, DIM), dtype=jnp.float32,
                             minval=-1.0 / NUM_CODES, maxval=1.0 / NUM_CODES)
    return {"x": x, "emb": emb}

def reference(x, emb):
    B, C, T = x.shape
    flat = jnp.transpose(x, (0, 2, 1)).reshape(-1, C)
    dist = (jnp.sum(flat ** 2, axis=1, keepdims=True)
            - 2.0 * flat @ emb.T
            + jnp.sum(emb ** 2, axis=1))
    encode_idx = jnp.argmin(dist, axis=1)
    quant = jnp.take(emb, encode_idx, axis=0).reshape(B, T, C)
    quant = jnp.transpose(quant, (0, 2, 1))
    loss = (jnp.mean((jax.lax.stop_gradient(quant) - x) ** 2)
            + jnp.mean((quant - jax.lax.stop_gradient(x)) ** 2))
    quantized = x + jax.lax.stop_gradient(quant - x)
    return (quantized, loss)

if __name__ == "__main__":
    import jax
    _d = setup_inputs()
    print(jax.jit(kernel)(*tuple(_d.values())))

</pallas_src>

<mosaic_0001>
#map = affine_map<(d0, d1) -> (0, 0)>
#map1 = affine_map<(d0, d1) -> (0)>
module attributes {stable_mosaic.version = 14 : i64} {
  func.func @_gather_body(%arg0: i32, %arg1: i32, %arg2: memref<8192x256xf32, #tpu.memory_space<hbm>>, %arg3: memref<8192xi32, #tpu.memory_space<hbm>>, %arg4: memref<8192x256xf32, #tpu.memory_space<hbm>>, %arg5: memref<2x128xi32, #tpu.memory_space<vmem>>, %arg6: memref<2x128x256xf32, #tpu.memory_space<vmem>>, %arg7: memref<!tpu.dma_semaphore, #tpu.memory_space<semaphore_mem>>) attributes {dimension_semantics = [#tpu.dimension_semantics<core_parallel>, #tpu.dimension_semantics<subcore_parallel>], iteration_bounds = array<i64: 2, 16>, scalar_prefetch = 0 : i64, scratch_operands = 3 : i64, tpu.core_type = #tpu.core_type<sc_vector_subcore>, window_params = [{transform_indices = #map}, {transform_indices = #map1}, {transform_indices = #map}]} {
    %mul3A = arith.constant 2 : i32
    %mul3A_0 = arith.muli %arg1, %mul3A : i32
    %add3A = arith.addi %mul3A_0, %arg0 : i32
    %mul3A_1 = arith.constant 256 : i32
    %mul3A_2 = arith.muli %add3A, %mul3A_1 : i32
    %add3A_3 = arith.constant 0 : i32
    %add3A_4 = arith.addi %mul3A_2, %add3A_3 : i32
    %run_scoped3A = arith.constant 0 : i32
    "tpu.region"() ({
      %run_scoped3A_60 = tpu.sem_alloc : memref<!tpu.dma_semaphore, #tpu.memory_space<semaphore_mem>>
      %dma_start3A_61 = arith.constant 0 : i32
      %dma_start3A_62 = tpu.memref_slice %arg5[%run_scoped3A, %dma_start3A_61] : memref<2x128xi32, #tpu.memory_space<vmem>> -> memref<1x128xi32, #tpu.memory_space<vmem>>
      %dma_start3A_63 = tpu.memref_squeeze %dma_start3A_62 : memref<1x128xi32, #tpu.memory_space<vmem>> -> memref<128xi32, #tpu.memory_space<vmem>>
      %dma_start3A_64 = tpu.memref_slice %arg3[%add3A_4] : memref<8192xi32, #tpu.memory_space<hbm>> -> memref<128xi32, #tpu.memory_space<hbm>>
      %dma_start3A_65 = arith.constant 0 : i32
      %dma_start3A_66 = tpu.memref_slice %arg5[%run_scoped3A, %dma_start3A_65] : memref<2x128xi32, #tpu.memory_space<vmem>> -> memref<1x128xi32, #tpu.memory_space<vmem>>
      %dma_start3A_67 = tpu.memref_squeeze %dma_start3A_66 : memref<1x128xi32, #tpu.memory_space<vmem>> -> memref<128xi32, #tpu.memory_space<vmem>>
      %dma_start3A_68 = tpu.memref_slice %arg3[%add3A_4] : memref<8192xi32, #tpu.memory_space<hbm>> -> memref<128xi32, #tpu.memory_space<hbm>>
      tpu.enqueue_dma source(%dma_start3A_68 : memref<128xi32, #tpu.memory_space<hbm>>) target(%dma_start3A_67 : memref<128xi32, #tpu.memory_space<vmem>>) target_semaphore(%run_scoped3A_60 : memref<!tpu.dma_semaphore, #tpu.memory_space<semaphore_mem>>)
      %dma_wait3A_69 = arith.constant 0 : i32
      %dma_wait3A_70 = tpu.memref_slice %arg5[%run_scoped3A, %dma_wait3A_69] : memref<2x128xi32, #tpu.memory_space<vmem>> -> memref<1x128xi32, #tpu.memory_space<vmem>>
      %dma_wait3A_71 = tpu.memref_squeeze %dma_wait3A_70 : memref<1x128xi32, #tpu.memory_space<vmem>> -> memref<128xi32, #tpu.memory_space<vmem>>
      %dma_wait3A_72 = tpu.memref_slice %arg3[%add3A_4] : memref<8192xi32, #tpu.memory_space<hbm>> -> memref<128xi32, #tpu.memory_space<hbm>>
      %dma_wait3A_73 = arith.constant 0 : i32
      %dma_wait3A_74 = tpu.memref_slice %arg5[%run_scoped3A, %dma_wait3A_73] : memref<2x128xi32, #tpu.memory_space<vmem>> -> memref<1x128xi32, #tpu.memory_space<vmem>>
      %dma_wait3A_75 = tpu.memref_squeeze %dma_wait3A_74 : memref<1x128xi32, #tpu.memory_space<vmem>> -> memref<128xi32, #tpu.memory_space<vmem>>
      %dma_wait3A_76 = tpu.memref_slice %arg3[%add3A_4] : memref<8192xi32, #tpu.memory_space<hbm>> -> memref<128xi32, #tpu.memory_space<hbm>>
      tpu.wait_dma2 semaphore(%run_scoped3A_60 : memref<!tpu.dma_semaphore, #tpu.memory_space<semaphore_mem>>) src(%dma_wait3A_76 : memref<128xi32, #tpu.memory_space<hbm>>) dst(%dma_wait3A_75 : memref<128xi32, #tpu.memory_space<vmem>>)
      tpu.yield
    }) : () -> ()
    %add3A_5 = arith.constant 128 : i32
    %add3A_6 = arith.addi %mul3A_2, %add3A_5 : i32
    %run_scoped3A_7 = arith.constant 1 : i32
    "tpu.region"() ({
      %run_scoped3A_60 = tpu.sem_alloc : memref<!tpu.dma_semaphore, #tpu.memory_space<semaphore_mem>>
      %dma_start3A_61 = arith.constant 0 : i32
      %dma_start3A_62 = tpu.memref_slice %arg5[%run_scoped3A_7, %dma_start3A_61] : memref<2x128xi32, #tpu.memory_space<vmem>> -> memref<1x128xi32, #tpu.memory_space<vmem>>
      %dma_start3A_63 = tpu.memref_squeeze %dma_start3A_62 : memref<1x128xi32, #tpu.memory_space<vmem>> -> memref<128xi32, #tpu.memory_space<vmem>>
      %dma_start3A_64 = tpu.memref_slice %arg3[%add3A_6] : memref<8192xi32, #tpu.memory_space<hbm>> -> memref<128xi32, #tpu.memory_space<hbm>>
      %dma_start3A_65 = arith.constant 0 : i32
      %dma_start3A_66 = tpu.memref_slice %arg5[%run_scoped3A_7, %dma_start3A_65] : memref<2x128xi32, #tpu.memory_space<vmem>> -> memref<1x128xi32, #tpu.memory_space<vmem>>
      %dma_start3A_67 = tpu.memref_squeeze %dma_start3A_66 : memref<1x128xi32, #tpu.memory_space<vmem>> -> memref<128xi32, #tpu.memory_space<vmem>>
      %dma_start3A_68 = tpu.memref_slice %arg3[%add3A_6] : memref<8192xi32, #tpu.memory_space<hbm>> -> memref<128xi32, #tpu.memory_space<hbm>>
      tpu.enqueue_dma source(%dma_start3A_68 : memref<128xi32, #tpu.memory_space<hbm>>) target(%dma_start3A_67 : memref<128xi32, #tpu.memory_space<vmem>>) target_semaphore(%run_scoped3A_60 : memref<!tpu.dma_semaphore, #tpu.memory_space<semaphore_mem>>)
      %dma_wait3A_69 = arith.constant 0 : i32
      %dma_wait3A_70 = tpu.memref_slice %arg5[%run_scoped3A_7, %dma_wait3A_69] : memref<2x128xi32, #tpu.memory_space<vmem>> -> memref<1x128xi32, #tpu.memory_space<vmem>>
      %dma_wait3A_71 = tpu.memref_squeeze %dma_wait3A_70 : memref<1x128xi32, #tpu.memory_space<vmem>> -> memref<128xi32, #tpu.memory_space<vmem>>
      %dma_wait3A_72 = tpu.memref_slice %arg3[%add3A_6] : memref<8192xi32, #tpu.memory_space<hbm>> -> memref<128xi32, #tpu.memory_space<hbm>>
      %dma_wait3A_73 = arith.constant 0 : i32
      %dma_wait3A_74 = tpu.memref_slice %arg5[%run_scoped3A_7, %dma_wait3A_73] : memref<2x128xi32, #tpu.memory_space<vmem>> -> memref<1x128xi32, #tpu.memory_space<vmem>>
      %dma_wait3A_75 = tpu.memref_squeeze %dma_wait3A_74 : memref<1x128xi32, #tpu.memory_space<vmem>> -> memref<128xi32, #tpu.memory_space<vmem>>
      %dma_wait3A_76 = tpu.memref_slice %arg3[%add3A_6] : memref<8192xi32, #tpu.memory_space<hbm>> -> memref<128xi32, #tpu.memory_space<hbm>>
      tpu.wait_dma2 semaphore(%run_scoped3A_60 : memref<!tpu.dma_semaphore, #tpu.memory_space<semaphore_mem>>) src(%dma_wait3A_76 : memref<128xi32, #tpu.memory_space<hbm>>) dst(%dma_wait3A_75 : memref<128xi32, #tpu.memory_space<vmem>>)
      tpu.yield
    }) : () -> ()
    %dma_start3A = arith.constant 0 : i32
    %dma_start3A_8 = arith.constant 0 : i32
    %dma_start3A_9 = arith.constant 0 : i32
    %dma_start3A_10 = arith.constant 0 : i32
    %dma_start3A_11 = tpu.memref_slice %arg6[%dma_start3A_8, %dma_start3A_9, %dma_start3A_10] : memref<2x128x256xf32, #tpu.memory_space<vmem>> -> memref<1x128x256xf32, #tpu.memory_space<vmem>>
    %dma_start3A_12 = tpu.memref_squeeze %dma_start3A_11 : memref<1x128x256xf32, #tpu.memory_space<vmem>> -> memref<128x256xf32, #tpu.memory_space<vmem>>
    %dma_start3A_13 = arith.constant 0 : i32
    %dma_start3A_14 = tpu.memref_slice %arg5[%dma_start3A, %dma_start3A_13] : memref<2x128xi32, #tpu.memory_space<vmem>> -> memref<1x128xi32, #tpu.memory_space<vmem>>
    %dma_start3A_15 = tpu.memref_squeeze %dma_start3A_14 : memref<1x128xi32, #tpu.memory_space<vmem>> -> memref<128xi32, #tpu.memory_space<vmem>>
    %dma_start3A_16 = arith.constant 0 : i32
    %dma_start3A_17 = arith.constant 0 : i32
    %dma_start3A_18 = tpu.memref_slice %arg2[%dma_start3A_16, %dma_start3A_17] : memref<8192x256xf32, #tpu.memory_space<hbm>> -> memref<8192x256xf32, #tpu.memory_space<hbm>>
    tpu.enqueue_indirect_dma source(%dma_start3A_18 : memref<8192x256xf32, #tpu.memory_space<hbm>>) target(%dma_start3A_12 : memref<128x256xf32, #tpu.memory_space<vmem>>) offsets(%dma_start3A_15 : memref<128xi32, #tpu.memory_space<vmem>>) semaphore(%arg7 : memref<!tpu.dma_semaphore, #tpu.memory_space<semaphore_mem>>)
    %dma_start3A_19 = arith.constant 1 : i32
    %dma_start3A_20 = arith.constant 1 : i32
    %dma_start3A_21 = arith.constant 0 : i32
    %dma_start3A_22 = arith.constant 0 : i32
    %dma_start3A_23 = tpu.memref_slice %arg6[%dma_start3A_20, %dma_start3A_21, %dma_start3A_22] : memref<2x128x256xf32, #tpu.memory_space<vmem>> -> memref<1x128x256xf32, #tpu.memory_space<vmem>>
    %dma_start3A_24 = tpu.memref_squeeze %dma_start3A_23 : memref<1x128x256xf32, #tpu.memory_space<vmem>> -> memref<128x256xf32, #tpu.memory_space<vmem>>
    %dma_start3A_25 = arith.constant 0 : i32
    %dma_start3A_26 = tpu.memref_slice %arg5[%dma_start3A_19, %dma_start3A_25] : memref<2x128xi32, #tpu.memory_space<vmem>> -> memref<1x128xi32, #tpu.memory_space<vmem>>
    %dma_start3A_27 = tpu.memref_squeeze %dma_start3A_26 : memref<1x128xi32, #tpu.memory_space<vmem>> -> memref<128xi32, #tpu.memory_space<vmem>>
    %dma_start3A_28 = arith.constant 0 : i32
    %dma_start3A_29 = arith.constant 0 : i32
    %dma_start3A_30 = tpu.memref_slice %arg2[%dma_start3A_28, %dma_start3A_29] : memref<8192x256xf32, #tpu.memory_space<hbm>> -> memref<8192x256xf32, #tpu.memory_space<hbm>>
    tpu.enqueue_indirect_dma source(%dma_start3A_30 : memref<8192x256xf32, #tpu.memory_space<hbm>>) target(%dma_start3A_24 : memref<128x256xf32, #tpu.memory_space<vmem>>) offsets(%dma_start3A_27 : memref<128xi32, #tpu.memory_space<vmem>>) semaphore(%arg7 : memref<!tpu.dma_semaphore, #tpu.memory_space<semaphore_mem>>)
    %dma_wait3A = arith.constant 0 : i32
    %dma_wait3A_31 = arith.constant 0 : i32
    %dma_wait3A_32 = arith.constant 0 : i32
    %dma_wait3A_33 = arith.constant 0 : i32
    %dma_wait3A_34 = tpu.memref_slice %arg6[%dma_wait3A_31, %dma_wait3A_32, %dma_wait3A_33] : memref<2x128x256xf32, #tpu.memory_space<vmem>> -> memref<1x128x256xf32, #tpu.memory_space<vmem>>
    %dma_wait3A_35 = tpu.memref_squeeze %dma_wait3A_34 : memref<1x128x256xf32, #tpu.memory_space<vmem>> -> memref<128x256xf32, #tpu.memory_space<vmem>>
    %dma_wait3A_36 = arith.constant 0 : i32
    %dma_wait3A_37 = tpu.memref_slice %arg5[%dma_wait3A, %dma_wait3A_36] : memref<2x128xi32, #tpu.memory_space<vmem>> -> memref<1x128xi32, #tpu.memory_space<vmem>>
    %dma_wait3A_38 = tpu.memref_squeeze %dma_wait3A_37 : memref<1x128xi32, #tpu.memory_space<vmem>> -> memref<128xi32, #tpu.memory_space<vmem>>
    %dma_wait3A_39 = arith.constant 0 : i32
    %dma_wait3A_40 = arith.constant 0 : i32
    %dma_wait3A_41 = tpu.memref_slice %arg2[%dma_wait3A_39, %dma_wait3A_40] : memref<8192x256xf32, #tpu.memory_space<hbm>> -> memref<8192x256xf32, #tpu.memory_space<hbm>>
    tpu.wait_indirect_dma semaphore(%arg7 : memref<!tpu.dma_semaphore, #tpu.memory_space<semaphore_mem>>) src(%dma_wait3A_41 : memref<8192x256xf32, #tpu.memory_space<hbm>>) dst(%dma_wait3A_35 : memref<128x256xf32, #tpu.memory_space<vmem>>)
    %dma_wait3A_42 = arith.constant 1 : i32
    %dma_wait3A_43 = arith.constant 1 : i32
    %dma_wait3A_44 = arith.constant 0 : i32
    %dma_wait3A_45 = arith.constant 0 : i32
    %dma_wait3A_46 = tpu.memref_slice %arg6[%dma_wait3A_43, %dma_wait3A_44, %dma_wait3A_45] : memref<2x128x256xf32, #tpu.memory_space<vmem>> -> memref<1x128x256xf32, #tpu.memory_space<vmem>>
    %dma_wait3A_47 = tpu.memref_squeeze %dma_wait3A_46 : memref<1x128x256xf32, #tpu.memory_space<vmem>> -> memref<128x256xf32, #tpu.memory_space<vmem>>
    %dma_wait3A_48 = arith.constant 0 : i32
    %dma_wait3A_49 = tpu.memref_slice %arg5[%dma_wait3A_42, %dma_wait3A_48] : memref<2x128xi32, #tpu.memory_space<vmem>> -> memref<1x128xi32, #tpu.memory_space<vmem>>
    %dma_wait3A_50 = tpu.memref_squeeze %dma_wait3A_49 : memref<1x128xi32, #tpu.memory_space<vmem>> -> memref<128xi32, #tpu.memory_space<vmem>>
    %dma_wait3A_51 = arith.constant 0 : i32
    %dma_wait3A_52 = arith.constant 0 : i32
    %dma_wait3A_53 = tpu.memref_slice %arg2[%dma_wait3A_51, %dma_wait3A_52] : memref<8192x256xf32, #tpu.memory_space<hbm>> -> memref<8192x256xf32, #tpu.memory_space<hbm>>
    tpu.wait_indirect_dma semaphore(%arg7 : memref<!tpu.dma_semaphore, #tpu.memory_space<semaphore_mem>>) src(%dma_wait3A_53 : memref<8192x256xf32, #tpu.memory_space<hbm>>) dst(%dma_wait3A_47 : memref<128x256xf32, #tpu.memory_space<vmem>>)
    %add3A_54 = arith.constant 0 : i32
    %add3A_55 = arith.addi %mul3A_2, %add3A_54 : i32
    %run_scoped3A_56 = arith.constant 0 : i32
    "tpu.region"() ({
      %run_scoped3A_60 = tpu.sem_alloc : memref<!tpu.dma_semaphore, #tpu.memory_space<semaphore_mem>>
      %dma_start3A_61 = arith.constant 0 : i32
      %dma_start3A_62 = arith.constant 0 : i32
      %dma_start3A_63 = tpu.memref_slice %arg6[%run_scoped3A_56, %dma_start3A_61, %dma_start3A_62] : memref<2x128x256xf32, #tpu.memory_space<vmem>> -> memref<1x128x256xf32, #tpu.memory_space<vmem>>
      %dma_start3A_64 = tpu.memref_squeeze %dma_start3A_63 : memref<1x128x256xf32, #tpu.memory_space<vmem>> -> memref<128x256xf32, #tpu.memory_space<vmem>>
      %dma_start3A_65 = arith.constant 0 : i32
      %dma_start3A_66 = tpu.memref_slice %arg4[%add3A_55, %dma_start3A_65] : memref<8192x256xf32, #tpu.memory_space<hbm>> -> memref<128x256xf32, #tpu.memory_space<hbm>>
      %dma_start3A_67 = arith.constant 0 : i32
      %dma_start3A_68 = tpu.memref_slice %arg4[%add3A_55, %dma_start3A_67] : memref<8192x256xf32, #tpu.memory_space<hbm>> -> memref<128x256xf32, #tpu.memory_space<hbm>>
      %dma_start3A_69 = arith.constant 0 : i32
      %dma_start3A_70 = arith.constant 0 : i32
      %dma_start3A_71 = tpu.memref_slice %arg6[%run_scoped3A_56, %dma_start3A_69, %dma_start3A_70] : memref<2x128x256xf32, #tpu.memory_space<vmem>> -> memref<1x128x256xf32, #tpu.memory_space<vmem>>
      %dma_start3A_72 = tpu.memref_squeeze %dma_start3A_71 : memref<1x128x256xf32, #tpu.memory_space<vmem>> -> memref<128x256xf32, #tpu.memory_space<vmem>>
      tpu.enqueue_dma source(%dma_start3A_72 : memref<128x256xf32, #tpu.memory_space<vmem>>) target(%dma_start3A_68 : memref<128x256xf32, #tpu.memory_space<hbm>>) target_semaphore(%run_scoped3A_60 : memref<!tpu.dma_semaphore, #tpu.memory_space<semaphore_mem>>)
      %dma_wait3A_73 = arith.constant 0 : i32
      %dma_wait3A_74 = arith.constant 0 : i32
      %dma_wait3A_75 = tpu.memref_slice %arg6[%run_scoped3A_56, %dma_wait3A_73, %dma_wait3A_74] : memref<2x128x256xf32, #tpu.memory_space<vmem>> -> memref<1x128x256xf32, #tpu.memory_space<vmem>>
      %dma_wait3A_76 = tpu.memref_squeeze %dma_wait3A_75 : memref<1x128x256xf32, #tpu.memory_space<vmem>> -> memref<128x256xf32, #tpu.memory_space<vmem>>
      %dma_wait3A_77 = arith.constant 0 : i32
      %dma_wait3A_78 = tpu.memref_slice %arg4[%add3A_55, %dma_wait3A_77] : memref<8192x256xf32, #tpu.memory_space<hbm>> -> memref<128x256xf32, #tpu.memory_space<hbm>>
      %dma_wait3A_79 = arith.constant 0 : i32
      %dma_wait3A_80 = tpu.memref_slice %arg4[%add3A_55, %dma_wait3A_79] : memref<8192x256xf32, #tpu.memory_space<hbm>> -> memref<128x256xf32, #tpu.memory_space<hbm>>
      %dma_wait3A_81 = arith.constant 0 : i32
      %dma_wait3A_82 = arith.constant 0 : i32
      %dma_wait3A_83 = tpu.memref_slice %arg6[%run_scoped3A_56, %dma_wait3A_81, %dma_wait3A_82] : memref<2x128x256xf32, #tpu.memory_space<vmem>> -> memref<1x128x256xf32, #tpu.memory_space<vmem>>
      %dma_wait3A_84 = tpu.memref_squeeze %dma_wait3A_83 : memref<1x128x256xf32, #tpu.memory_space<vmem>> -> memref<128x256xf32, #tpu.memory_space<vmem>>
      tpu.wait_dma2 semaphore(%run_scoped3A_60 : memref<!tpu.dma_semaphore, #tpu.memory_space<semaphore_mem>>) src(%dma_wait3A_84 : memref<128x256xf32, #tpu.memory_space<vmem>>) dst(%dma_wait3A_80 : memref<128x256xf32, #tpu.memory_space<hbm>>)
      tpu.yield
    }) : () -> ()
    %add3A_57 = arith.constant 128 : i32
    %add3A_58 = arith.addi %mul3A_2, %add3A_57 : i32
    %run_scoped3A_59 = arith.constant 1 : i32
    "tpu.region"() ({
      %run_scoped3A_60 = tpu.sem_alloc : memref<!tpu.dma_semaphore, #tpu.memory_space<semaphore_mem>>
      %dma_start3A_61 = arith.constant 0 : i32
      %dma_start3A_62 = arith.constant 0 : i32
      %dma_start3A_63 = tpu.memref_slice %arg6[%run_scoped3A_59, %dma_start3A_61, %dma_start3A_62] : memref<2x128x256xf32, #tpu.memory_space<vmem>> -> memref<1x128x256xf32, #tpu.memory_space<vmem>>
      %dma_start3A_64 = tpu.memref_squeeze %dma_start3A_63 : memref<1x128x256xf32, #tpu.memory_space<vmem>> -> memref<128x256xf32, #tpu.memory_space<vmem>>
      %dma_start3A_65 = arith.constant 0 : i32
      %dma_start3A_66 = tpu.memref_slice %arg4[%add3A_58, %dma_start3A_65] : memref<8192x256xf32, #tpu.memory_space<hbm>> -> memref<128x256xf32, #tpu.memory_space<hbm>>
      %dma_start3A_67 = arith.constant 0 : i32
      %dma_start3A_68 = tpu.memref_slice %arg4[%add3A_58, %dma_start3A_67] : memref<8192x256xf32, #tpu.memory_space<hbm>> -> memref<128x256xf32, #tpu.memory_space<hbm>>
      %dma_start3A_69 = arith.constant 0 : i32
      %dma_start3A_70 = arith.constant 0 : i32
      %dma_start3A_71 = tpu.memref_slice %arg6[%run_scoped3A_59, %dma_start3A_69, %dma_start3A_70] : memref<2x128x256xf32, #tpu.memory_space<vmem>> -> memref<1x128x256xf32, #tpu.memory_space<vmem>>
      %dma_start3A_72 = tpu.memref_squeeze %dma_start3A_71 : memref<1x128x256xf32, #tpu.memory_space<vmem>> -> memref<128x256xf32, #tpu.memory_space<vmem>>
      tpu.enqueue_dma source(%dma_start3A_72 : memref<128x256xf32, #tpu.memory_space<vmem>>) target(%dma_start3A_68 : memref<128x256xf32, #tpu.memory_space<hbm>>) target_semaphore(%run_scoped3A_60 : memref<!tpu.dma_semaphore, #tpu.memory_space<semaphore_mem>>)
      %dma_wait3A_73 = arith.constant 0 : i32
      %dma_wait3A_74 = arith.constant 0 : i32
      %dma_wait3A_75 = tpu.memref_slice %arg6[%run_scoped3A_59, %dma_wait3A_73, %dma_wait3A_74] : memref<2x128x256xf32, #tpu.memory_space<vmem>> -> memref<1x128x256xf32, #tpu.memory_space<vmem>>
      %dma_wait3A_76 = tpu.memref_squeeze %dma_wait3A_75 : memref<1x128x256xf32, #tpu.memory_space<vmem>> -> memref<128x256xf32, #tpu.memory_space<vmem>>
      %dma_wait3A_77 = arith.constant 0 : i32
      %dma_wait3A_78 = tpu.memref_slice %arg4[%add3A_58, %dma_wait3A_77] : memref<8192x256xf32, #tpu.memory_space<hbm>> -> memref<128x256xf32, #tpu.memory_space<hbm>>
      %dma_wait3A_79 = arith.constant 0 : i32
      %dma_wait3A_80 = tpu.memref_slice %arg4[%add3A_58, %dma_wait3A_79] : memref<8192x256xf32, #tpu.memory_space<hbm>> -> memref<128x256xf32, #tpu.memory_space<hbm>>
      %dma_wait3A_81 = arith.constant 0 : i32
      %dma_wait3A_82 = arith.constant 0 : i32
      %dma_wait3A_83 = tpu.memref_slice %arg6[%run_scoped3A_59, %dma_wait3A_81, %dma_wait3A_82] : memref<2x128x256xf32, #tpu.memory_space<vmem>> -> memref<1x128x256xf32, #tpu.memory_space<vmem>>
      %dma_wait3A_84 = tpu.memref_squeeze %dma_wait3A_83 : memref<1x128x256xf32, #tpu.memory_space<vmem>> -> memref<128x256xf32, #tpu.memory_space<vmem>>
      tpu.wait_dma2 semaphore(%run_scoped3A_60 : memref<!tpu.dma_semaphore, #tpu.memory_space<semaphore_mem>>) src(%dma_wait3A_84 : memref<128x256xf32, #tpu.memory_space<vmem>>) dst(%dma_wait3A_80 : memref<128x256xf32, #tpu.memory_space<hbm>>)
      tpu.yield
    }) : () -> ()
    return
  }
}

module attributes {stable_mosaic.version = 14 : i64} {
  func.func @_finish_body(%arg0: i32, %arg1: memref<1x256x1024xf32, #tpu.memory_space<vmem>>, %arg2: memref<1024x256xf32, #tpu.memory_space<vmem>>, %arg3: memref<1x256x1024xf32, #tpu.memory_space<vmem>>) attributes {dimension_semantics = [#tpu.dimension_semantics<arbitrary>], iteration_bounds = array<i64: 8>, scalar_prefetch = 0 : i64, scratch_operands = 0 : i64, tpu.core_type = #tpu.core_type<tc>, window_params = [{transform_indices = @transform_0, window_bounds = array<i64: 1, 256, 1024>}, {transform_indices = @transform_1, window_bounds = array<i64: 1024, 256>}, {transform_indices = @transform_2, window_bounds = array<i64: 1, 256, 1024>}]} {
    %get3A = arith.constant 0 : index
    %get3A_0 = arith.constant 0 : index
    %get3A_1 = arith.constant 0 : index
    %get3A_2 = vector.load %arg1[%get3A, %get3A_0, %get3A_1] : memref<1x256x1024xf32, #tpu.memory_space<vmem>>, vector<1x256x1024xf32>
    %get3A_3 = vector.shape_cast %get3A_2 : vector<1x256x1024xf32> to vector<256x1024xf32>
    %get3A_4 = arith.constant 0 : index
    %get3A_5 = arith.constant 0 : index
    %get3A_6 = vector.load %arg2[%get3A_4, %get3A_5] : memref<1024x256xf32, #tpu.memory_space<vmem>>, vector<1024x256xf32>
    %transpose3A = tpu.transpose %get3A_6, [1, 0] : vector<1024x256xf32> -> vector<256x1024xf32>
    %sub3A = arith.subf %transpose3A, %get3A_3 : vector<256x1024xf32>
    %add3A = arith.addf %get3A_3, %sub3A : vector<256x1024xf32>
    %swap3A = arith.constant 0 : index
    %swap3A_7 = arith.constant 0 : index
    %swap3A_8 = arith.constant 0 : index
    %swap3A_9 = vector.load %arg3[%swap3A, %swap3A_7, %swap3A_8] : memref<1x256x1024xf32, #tpu.memory_space<vmem>>, vector<1x256x1024xf32>
    %swap3A_10 = vector.shape_cast %swap3A_9 : vector<1x256x1024xf32> to vector<256x1024xf32>
    %swap3A_11 = vector.shape_cast %add3A : vector<256x1024xf32> to vector<1x256x1024xf32>
    tpu.vector_store %arg3[%swap3A, %swap3A_7, %swap3A_8], %swap3A_11 {strides = array<i32>} : memref<1x256x1024xf32, #tpu.memory_space<vmem>>, vector<1x256x1024xf32>,
    return
  }
  func.func @transform_0(%arg0: i32) -> (i32, i32, i32) {
    %jit3A = arith.constant 1 : i32
    %div3A = arith.divsi %arg0, %jit3A : i32
    %sign3A = arith.constant 0 : i32
    %sign3A_0 = arith.cmpi sgt, %arg0, %sign3A : i32
    %sign3A_1 = arith.extui %sign3A_0 : i1 to i32
    %sign3A_2 = arith.constant 0 : i32
    %sign3A_3 = arith.cmpi slt, %arg0, %sign3A_2 : i32
    %sign3A_4 = arith.extui %sign3A_3 : i1 to i32
    %sign3A_5 = arith.subi %sign3A_1, %sign3A_4 : i32
    %sign3A_6 = arith.constant 0 : i32
    %sign3A_7 = arith.cmpi sgt, %jit3A, %sign3A_6 : i32
    %sign3A_8 = arith.extui %sign3A_7 : i1 to i32
    %sign3A_9 = arith.constant 0 : i32
    %sign3A_10 = arith.cmpi slt, %jit3A, %sign3A_9 : i32
    %sign3A_11 = arith.extui %sign3A_10 : i1 to i32
    %sign3A_12 = arith.subi %sign3A_8, %sign3A_11 : i32
    %ne3A = arith.cmpi ne, %sign3A_5, %sign3A_12 : i32
    %rem3A = arith.remsi %arg0, %jit3A : i32
    %ne3A_13 = arith.constant 0 : i32
    %ne3A_14 = arith.cmpi ne, %rem3A, %ne3A_13 : i32
    %and3A = arith.andi %ne3A, %ne3A_14 : i1
    %sub3A = arith.constant 1 : i32
    %sub3A_15 = arith.subi %div3A, %sub3A : i32
    %select_n3A = arith.select %and3A, %sub3A_15, %div3A : i32
    %jit3A_16 = arith.constant 1 : i32
    %eq3A = arith.constant 0 : i32
    %eq3A_17 = arith.cmpi eq, %jit3A_16, %eq3A : i32
    %jit3A_18 = arith.constant 1 : i32
    %select_n3A_19 = arith.select %eq3A_17, %jit3A_18, %jit3A_16 : i32
    %rem3A_20 = arith.remsi %arg0, %select_n3A_19 : i32
    %ne3A_21 = arith.constant 0 : i32
    %ne3A_22 = arith.cmpi ne, %rem3A_20, %ne3A_21 : i32
    %lt3A = arith.constant 0 : i32
    %lt3A_23 = arith.cmpi slt, %rem3A_20, %lt3A : i32
    %lt3A_24 = arith.constant 0 : i32
    %lt3A_25 = arith.cmpi slt, %select_n3A_19, %lt3A_24 : i32
    %ne3A_26 = arith.xori %lt3A_23, %lt3A_25 : i1
    %and3A_27 = arith.andi %ne3A_26, %ne3A_22 : i1
    %add3A = arith.addi %rem3A_20, %select_n3A_19 : i32
    %select_n3A_28 = arith.select %and3A_27, %add3A, %rem3A_20 : i32
    %c0_i32 = arith.constant 0 : i32
    %c0_i32_29 = arith.constant 0 : i32
    return %select_n3A, %c0_i32, %select_n3A_28 : i32, i32, i32
  }
  func.func @transform_1(%arg0: i32) -> (i32, i32) {
    %c0_i32 = arith.constant 0 : i32
    %c0_i32_0 = arith.constant 0 : i32
    return %arg0, %c0_i32 : i32, i32
  }
  func.func @transform_2(%arg0: i32) -> (i32, i32, i32) {
    %jit3A = arith.constant 1 : i32
    %div3A = arith.divsi %arg0, %jit3A : i32
    %sign3A = arith.constant 0 : i32
    %sign3A_0 = arith.cmpi sgt, %arg0, %sign3A : i32
    %sign3A_1 = arith.extui %sign3A_0 : i1 to i32
    %sign3A_2 = arith.constant 0 : i32
    %sign3A_3 = arith.cmpi slt, %arg0, %sign3A_2 : i32
    %sign3A_4 = arith.extui %sign3A_3 : i1 to i32
    %sign3A_5 = arith.subi %sign3A_1, %sign3A_4 : i32
    %sign3A_6 = arith.constant 0 : i32
    %sign3A_7 = arith.cmpi sgt, %jit3A, %sign3A_6 : i32
    %sign3A_8 = arith.extui %sign3A_7 : i1 to i32
    %sign3A_9 = arith.constant 0 : i32
    %sign3A_10 = arith.cmpi slt, %jit3A, %sign3A_9 : i32
    %sign3A_11 = arith.extui %sign3A_10 : i1 to i32
    %sign3A_12 = arith.subi %sign3A_8, %sign3A_11 : i32
    %ne3A = arith.cmpi ne, %sign3A_5, %sign3A_12 : i32
    %rem3A = arith.remsi %arg0, %jit3A : i32
    %ne3A_13 = arith.constant 0 : i32
    %ne3A_14 = arith.cmpi ne, %rem3A, %ne3A_13 : i32
    %and3A = arith.andi %ne3A, %ne3A_14 : i1
    %sub3A = arith.constant 1 : i32
    %sub3A_15 = arith.subi %div3A, %sub3A : i32
    %select_n3A = arith.select %and3A, %sub3A_15, %div3A : i32
    %jit3A_16 = arith.constant 1 : i32
    %eq3A = arith.constant 0 : i32
    %eq3A_17 = arith.cmpi eq, %jit3A_16, %eq3A : i32
    %jit3A_18 = arith.constant 1 : i32
    %select_n3A_19 = arith.select %eq3A_17, %jit3A_18, %jit3A_16 : i32
    %rem3A_20 = arith.remsi %arg0, %select_n3A_19 : i32
    %ne3A_21 = arith.constant 0 : i32
    %ne3A_22 = arith.cmpi ne, %rem3A_20, %ne3A_21 : i32
    %lt3A = arith.constant 0 : i32
    %lt3A_23 = arith.cmpi slt, %rem3A_20, %lt3A : i32
    %lt3A_24 = arith.constant 0 : i32
    %lt3A_25 = arith.cmpi slt, %select_n3A_19, %lt3A_24 : i32
    %ne3A_26 = arith.xori %lt3A_23, %lt3A_25 : i1
    %and3A_27 = arith.andi %ne3A_26, %ne3A_22 : i1
    %add3A = arith.addi %rem3A_20, %select_n3A_19 : i32
    %select_n3A_28 = arith.select %and3A_27, %add3A, %rem3A_20 : i32
    %c0_i32 = arith.constant 0 : i32
    %c0_i32_29 = arith.constant 0 : i32
    return %select_n3A, %c0_i32, %select_n3A_28 : i32, i32, i32
  }
}

module attributes {stable_mosaic.version = 14 : i64} {
  func.func @_dist_argmin_body(%arg0: i32, %arg1: memref<1x256x1024xf32, #tpu.memory_space<vmem>>, %arg2: memref<8192x256xf32, #tpu.memory_space<vmem>>, %arg3: memref<1x1x1024xi32, #tpu.memory_space<vmem>>, %arg4: memref<1x1xf32, #tpu.memory_space<smem>>, %arg5: memref<1x8192xf32, #tpu.memory_space<vmem>>, %arg6: memref<1xf32, #tpu.memory_space<smem>>) attributes {dimension_semantics = [#tpu.dimension_semantics<arbitrary>], iteration_bounds = array<i64: 8>, scalar_prefetch = 0 : i64, scratch_operands = 2 : i64, tpu.core_type = #tpu.core_type<tc>, window_params = [{transform_indices = @transform_0, window_bounds = array<i64: 1, 256, 1024>}, {pipeline_mode = #tpu.pipeline_mode<synchronous>, transform_indices = @transform_1, window_bounds = array<i64: 8192, 256>}, {transform_indices = @transform_2, window_bounds = array<i64: 1, 1, 1024>}, {transform_indices = @transform_3, window_bounds = array<i64: 1, 1>}]} {
    %eq3A = arith.constant 0 : i32
    %eq3A_0 = arith.cmpi eq, %arg0, %eq3A : i32
    %convert_element_type3A = arith.extui %eq3A_0 : i1 to i32
    %cond3A = arith.constant 0 : i32
    %cond3A_1 = arith.cmpi ne, %convert_element_type3A, %cond3A : i32
    scf.if %cond3A_1 {
      %get3A_40 = arith.constant 0 : index
      %get3A_41 = arith.constant 0 : index
      %get3A_42 = vector.load %arg2[%get3A_40, %get3A_41] : memref<8192x256xf32, #tpu.memory_space<vmem>>, vector<8192x256xf32>
      %mul3A_43 = arith.mulf %get3A_42, %get3A_42 : vector<8192x256xf32>
      %reduce_sum3A_44 = arith.constant dense<0.000000e+00> : vector<8192xf32>
      %reduce_sum3A_45 = vector.multi_reduction <add>, %mul3A_43, %reduce_sum3A_44 [1] : vector<8192x256xf32> to vector<8192xf32>
      %broadcast_in_dim3A_46 = vector.shape_cast %reduce_sum3A_45 : vector<8192xf32> to vector<8192x1xf32>
      %reshape3A = vector.shape_cast %broadcast_in_dim3A_46 : vector<8192x1xf32> to vector<1x8192xf32>
      %swap3A_47 = arith.constant 0 : index
      %swap3A_48 = arith.constant 0 : index
      %swap3A_49 = vector.load %arg5[%swap3A_47, %swap3A_48] : memref<1x8192xf32, #tpu.memory_space<vmem>>, vector<1x8192xf32>
      tpu.vector_store %arg5[%swap3A_47, %swap3A_48], %reshape3A {strides = array<i32>} : memref<1x8192xf32, #tpu.memory_space<vmem>>, vector<1x8192xf32>,
      %swap3A_50 = arith.constant 0.000000e+00 : f32
      %swap3A_51 = arith.constant 0 : index
      %swap3A_52 = memref.load %arg6[%swap3A_51] : memref<1xf32, #tpu.memory_space<smem>>
      memref.store %swap3A_50, %arg6[%swap3A_51] : memref<1xf32, #tpu.memory_space<smem>>
    } else {
    }
    %get3A = arith.constant 0 : index
    %get3A_2 = arith.constant 0 : index
    %get3A_3 = arith.constant 0 : index
    %get3A_4 = vector.load %arg1[%get3A, %get3A_2, %get3A_3] : memref<1x256x1024xf32, #tpu.memory_space<vmem>>, vector<1x256x1024xf32>
    %get3A_5 = vector.shape_cast %get3A_4 : vector<1x256x1024xf32> to vector<256x1024xf32>
    %transpose3A = tpu.transpose %get3A_5, [1, 0] : vector<256x1024xf32> -> vector<1024x256xf32>
    %get3A_6 = arith.constant 0 : index
    %get3A_7 = arith.constant 0 : index
    %get3A_8 = vector.load %arg2[%get3A_6, %get3A_7] : memref<8192x256xf32, #tpu.memory_space<vmem>>, vector<8192x256xf32>
    %dot_general3A = arith.constant dense<0.000000e+00> : vector<1024x8192xf32>
    %dot_general3A_9 = tpu.matmul %transpose3A, %get3A_8, %dot_general3A {dimension_numbers = #tpu.dot_dimension_numbers<[1], [1], [0], [0], [0, 0, 1, 0], [], []>, transpose_lhs_hint = false} : vector<1024x256xf32>, vector<8192x256xf32>, vector<1024x8192xf32> -> vector<1024x8192xf32>
    %mul3A = arith.mulf %transpose3A, %transpose3A : vector<1024x256xf32>
    %reduce_sum3A = arith.constant dense<0.000000e+00> : vector<1024xf32>
    %reduce_sum3A_10 = vector.multi_reduction <add>, %mul3A, %reduce_sum3A [1] : vector<1024x256xf32> to vector<1024xf32>
    %broadcast_in_dim3A = vector.shape_cast %reduce_sum3A_10 : vector<1024xf32> to vector<1024x1xf32>
    %mul3A_11 = arith.constant 2.000000e+00 : f32
    %mul3A_12 = vector.broadcast %mul3A_11 : f32 to vector<1024x8192xf32>
    %mul3A_13 = arith.mulf %mul3A_12, %dot_general3A_9 : vector<1024x8192xf32>
    %sub3A = vector.broadcast %broadcast_in_dim3A : vector<1024x1xf32> to vector<1024x8192xf32>
    %sub3A_14 = arith.subf %sub3A, %mul3A_13 : vector<1024x8192xf32>
    %get3A_15 = arith.constant 0 : index
    %get3A_16 = arith.constant 0 : index
    %get3A_17 = vector.load %arg5[%get3A_15, %get3A_16] : memref<1x8192xf32, #tpu.memory_space<vmem>>, vector<1x8192xf32>
    %add3A = vector.broadcast %get3A_17 : vector<1x8192xf32> to vector<1024x8192xf32>
    %add3A_18 = arith.addf %sub3A_14, %add3A : vector<1024x8192xf32>
    %reduce_min3A = arith.constant dense<0x7F800000> : vector<1024xf32>
    %reduce_min3A_19 = vector.multi_reduction <minimumf>, %add3A_18, %reduce_min3A [1] : vector<1024x8192xf32> to vector<1024xf32>
    %argmin3A = tpu.reduce_index %add3A_18 {axis = 1 : i32, kind = #tpu.reduction_kind<arg_min>} : vector<1024x8192xf32> -> vector<1024xi32>
    %swap3A = arith.constant 0 : index
    %swap3A_20 = arith.constant 0 : index
    %swap3A_21 = arith.constant 0 : index
    %swap3A_22 = vector.load %arg3[%swap3A, %swap3A_20, %swap3A_21] : memref<1x1x1024xi32, #tpu.memory_space<vmem>>, vector<1x1x1024xi32>
    %swap3A_23 = vector.shape_cast %swap3A_22 : vector<1x1x1024xi32> to vector<1024xi32>
    %swap3A_24 = vector.shape_cast %argmin3A : vector<1024xi32> to vector<1x1x1024xi32>
    tpu.vector_store %arg3[%swap3A, %swap3A_20, %swap3A_21], %swap3A_24 {strides = array<i32>} : memref<1x1x1024xi32, #tpu.memory_space<vmem>>, vector<1x1x1024xi32>,
    %get3A_25 = arith.constant 0 : index
    %get3A_26 = memref.load %arg6[%get3A_25] : memref<1xf32, #tpu.memory_space<smem>>
    %reduce_sum3A_27 = vector.shape_cast %reduce_min3A_19 : vector<1024xf32> to vector<1x1024xf32>
    %reduce_sum3A_28 = arith.constant dense<0.000000e+00> : vector<1xf32>
    %reduce_sum3A_29 = vector.multi_reduction <add>, %reduce_sum3A_27, %reduce_sum3A_28 [1] : vector<1x1024xf32> to vector<1xf32>
    %reduce_sum3A_30 = vector.shape_cast %reduce_sum3A_29 : vector<1xf32> to vector<1x1xf32>
    %reduce_sum3A_31 = vector.extract %reduce_sum3A_30[0, 0] : f32 from vector<1x1xf32>
    %add3A_32 = arith.addf %get3A_26, %reduce_sum3A_31 : f32
    %swap3A_33 = arith.constant 0 : index
    %swap3A_34 = memref.load %arg6[%swap3A_33] : memref<1xf32, #tpu.memory_space<smem>>
    memref.store %add3A_32, %arg6[%swap3A_33] : memref<1xf32, #tpu.memory_space<smem>>
    %eq3A_35 = arith.constant 7 : i32
    %eq3A_36 = arith.cmpi eq, %arg0, %eq3A_35 : i32
    %convert_element_type3A_37 = arith.extui %eq3A_36 : i1 to i32
    %cond3A_38 = arith.constant 0 : i32
    %cond3A_39 = arith.cmpi ne, %convert_element_type3A_37, %cond3A_38 : i32
    scf.if %cond3A_39 {
      %get3A_40 = arith.constant 0 : index
      %get3A_41 = memref.load %arg6[%get3A_40] : memref<1xf32, #tpu.memory_space<smem>>
      %div3A = arith.constant 0x4A000000 : f32
      %div3A_42 = arith.divf %get3A_41, %div3A : f32
      %add3A_43 = arith.addf %div3A_42, %div3A_42 : f32
      %swap3A_44 = arith.constant 0 : index
      %swap3A_45 = arith.constant 0 : index
      %swap3A_46 = memref.load %arg4[%swap3A_44, %swap3A_45] : memref<1x1xf32, #tpu.memory_space<smem>>
      memref.store %add3A_43, %arg4[%swap3A_44, %swap3A_45] : memref<1x1xf32, #tpu.memory_space<smem>>
    } else {
    }
    return
  }
  func.func @transform_0(%arg0: i32) -> (i32, i32, i32) {
    %jit3A = arith.constant 1 : i32
    %div3A = arith.divsi %arg0, %jit3A : i32
    %sign3A = arith.constant 0 : i32
    %sign3A_0 = arith.cmpi sgt, %arg0, %sign3A : i32
    %sign3A_1 = arith.extui %sign3A_0 : i1 to i32
    %sign3A_2 = arith.constant 0 : i32
    %sign3A_3 = arith.cmpi slt, %arg0, %sign3A_2 : i32
    %sign3A_4 = arith.extui %sign3A_3 : i1 to i32
    %sign3A_5 = arith.subi %sign3A_1, %sign3A_4 : i32
    %sign3A_6 = arith.constant 0 : i32
    %sign3A_7 = arith.cmpi sgt, %jit3A, %sign3A_6 : i32
    %sign3A_8 = arith.extui %sign3A_7 : i1 to i32
    %sign3A_9 = arith.constant 0 : i32
    %sign3A_10 = arith.cmpi slt, %jit3A, %sign3A_9 : i32
    %sign3A_11 = arith.extui %sign3A_10 : i1 to i32
    %sign3A_12 = arith.subi %sign3A_8, %sign3A_11 : i32
    %ne3A = arith.cmpi ne, %sign3A_5, %sign3A_12 : i32
    %rem3A = arith.remsi %arg0, %jit3A : i32
    %ne3A_13 = arith.constant 0 : i32
    %ne3A_14 = arith.cmpi ne, %rem3A, %ne3A_13 : i32
    %and3A = arith.andi %ne3A, %ne3A_14 : i1
    %sub3A = arith.constant 1 : i32
    %sub3A_15 = arith.subi %div3A, %sub3A : i32
    %select_n3A = arith.select %and3A, %sub3A_15, %div3A : i32
    %jit3A_16 = arith.constant 1 : i32
    %eq3A = arith.constant 0 : i32
    %eq3A_17 = arith.cmpi eq, %jit3A_16, %eq3A : i32
    %jit3A_18 = arith.constant 1 : i32
    %select_n3A_19 = arith.select %eq3A_17, %jit3A_18, %jit3A_16 : i32
    %rem3A_20 = arith.remsi %arg0, %select_n3A_19 : i32
    %ne3A_21 = arith.constant 0 : i32
    %ne3A_22 = arith.cmpi ne, %rem3A_20, %ne3A_21 : i32
    %lt3A = arith.constant 0 : i32
    %lt3A_23 = arith.cmpi slt, %rem3A_20, %lt3A : i32
    %lt3A_24 = arith.constant 0 : i32
    %lt3A_25 = arith.cmpi slt, %select_n3A_19, %lt3A_24 : i32
    %ne3A_26 = arith.xori %lt3A_23, %lt3A_25 : i1
    %and3A_27 = arith.andi %ne3A_26, %ne3A_22 : i1
    %add3A = arith.addi %rem3A_20, %select_n3A_19 : i32
    %select_n3A_28 = arith.select %and3A_27, %add3A, %rem3A_20 : i32
    %c0_i32 = arith.constant 0 : i32
    %c0_i32_29 = arith.constant 0 : i32
    return %select_n3A, %c0_i32, %select_n3A_28 : i32, i32, i32
  }
  func.func @transform_1(%arg0: i32) -> (i32, i32) {
    %c0_i32 = arith.constant 0 : i32
    %c0_i32_0 = arith.constant 0 : i32
    %c0_i32_1 = arith.constant 0 : i32
    return %c0_i32, %c0_i32_0 : i32, i32
  }
  func.func @transform_2(%arg0: i32) -> (i32, i32, i32) {
    %c0_i32 = arith.constant 0 : i32
    %c0_i32_0 = arith.constant 0 : i32
    %c0_i32_1 = arith.constant 0 : i32
    return %arg0, %c0_i32, %c0_i32_0 : i32, i32, i32
  }
  func.func @transform_3(%arg0: i32) -> (i32, i32) {
    %c0_i32 = arith.constant 0 : i32
    %c0_i32_0 = arith.constant 0 : i32
    %c0_i32_1 = arith.constant 0 : i32
    return %c0_i32, %c0_i32_0 : i32, i32
  }
}

</mosaic_0001>

<sc_bundles>
// kernel: kernel.5.cloned.1.call-start
scs
__scs_entry_jumppad:
0x0: {  	(pc) =	sbr.rel $0x88, $3  }
0x1: {  	(tag) =	ssettag $0x0;
	lr =	simm.s32 $0x1  }
0x2: {  	[smem:$0x3F9F] =	sst lr;
	_ =	strace $0xD0000000  }
0x3: {  	_ = 	snop  }
0x4: {  	_ = 	snop  }
0x5: {  	_ = 	snop  }
0x6: {  	_ = 	snop  }
0x7: {  	_ = 	snop  }
__scs_overlays_trampoline_lowered:
0x8: {  	[smem:$0x3FAE] =	sst s0  }
0x9: {  	[smem:$0x3FAF] =	sst s1  }
0xa: {  	[smem:$0x3FB0] =	sst s2  }
0xb: {  	[smem:$0x3FB1] =	sst s3  }
0xc: {  	[smem:$0x3FB2] =	sst s4  }
0xd: {  	[smem:$0x3FB3] =	sst s5  }
0xe: {  	[smem:$0x3FB4] =	sst s6  }
0xf: {  	[smem:$0x3FB5] =	sst s7  }
0x10: {  	[smem:$0x3FB6] =	sst s8  }
0x11: {  	[smem:$0x3FB7] =	sst s9;
	s0 =	simm.s32 @!p0 $0x0  }
0x12: {  	s1 =	sld [smem:$0x3F9D];
	s0 =	simm.s32 @p0 $0x1  }
0x13: {  	[smem:$0x3FB8] =	sst s0;
	s0 =	simm.s32 @!p1 $0x0  }
0x14: {  	s2 =	sld [smem:$0x3F9C];
	s0 =	simm.s32 @p1 $0x1  }
0x15: {  	[smem:$0x3FB9] =	sst s0;
	s0 =	simm.s32 @!p2 $0x0  }
0x16: {  	s3 =	sld [smem:$0x3FDB];
	s0 =	simm.s32 @p2 $0x1  }
0x17: {  	s4 =	simm.s32 $0x1BF5;
	[smem:$0x3FBB] =	sst s0  }
0x18: {  	s0 =	sld [smem:$0x3F9E];
	_ =	swait.ge [sflag:s4], $0x0  }
0x19: {  	s7 =	sld [smem:$0x3F9F]  }
0x1a: {  	s8 =	sadd.s32 $0xFFFFE003, lr  }
0x1b: {  	s9 =	sadd.s32 $0xFFFFFEF7, lr;
	s5 =	simm.s32 $0xFFFFFFFF;
	p2 =	slt.u32 s8, $0xFFFFF086  }
0x1c: {  	p1 =	slt.u32 s9, $0xF7A;
	s5 =	simm.s32 @!p2 $0x0  }
0x1d: {  	s5 =	simm.s32 @p1 $0x1;
	p0 =	seq.s32 s7, s2  }
0x1e: {  	s7 =	smul.u32 @!p0 $0xF7A, s2;
	p2 =	seq.s32 @!p0 s5, $0x0  }
0x1f: {  	s9 =	smul.u32 $0xF7A, s1;
	s8 =	simm.s32 @!p0 $0x1BF5;
	p2 =	por !p2, p0  }
0x20: {  	[sflag:s8] =	ssyncset.s32 @!p0 $0xFFFFF086;
	s6 =	sadd.s32 @!p0 s3, s7;
	s7 =	simm.s32 @!p0 $0x108  }
0x21: {  	s3 =	sadd.s32 s3, s9;
	s6 =	sadd.s32 @!p0 $0x88, s6;
	s7 =	simm.s32 @p2 $0x1082  }
0x22: {  	[simem:s7], [sflag:s8] =	dma.local @!p0 [hbm:s6], $0xF7A  }
0x23: {  	s9 =	sor.u32 $0xD0000000, s2;
	s6 =	simm.s32 $0x108;
	_ =	swait.ge @!p0 [sflag:s8], $0x0  }
0x24: {  	s3 =	sadd.s32 $0x88, s3;
	s6 =	simm.s32 @!p1 $0x1082;
	[sflag:s4] =	ssyncset.s32 $0xFFFFF086  }
0x25: {  	[simem:s6], [sflag:s4] =	dma.local [hbm:s3], $0xF7A  }
0x26: {  	[smem:$0x3F9F] =	sst s1;
	(tag) =	ssettag s2;
	_ =	strace s9  }
0x27: {  	s1 =	sld [smem:$0x3FAF]  }
0x28: {  	s2 =	sld [smem:$0x3FB0]  }
0x29: {  	s4 =	sld [smem:$0x3FB2]  }
0x2a: {  	p0 =	seq.s32 s5, $0x0;
	s5 =	sld [smem:$0x3FB3]  }
0x2b: {  	s6 =	sld [smem:$0x3FB4]  }
0x2c: {  	s7 =	sld [smem:$0x3FB5]  }
0x2d: {  	s3 =	simm.s32 $0x108;
	s8 =	sld [smem:$0x3FB6]  }
0x2e: {  	s3 =	simm.s32 @!p0 $0x1082;
	s9 =	sld [smem:$0x3FB7]  }
0x2f: {  	lr =	sadd.s32 s0, s3;
	s0 =	sld [smem:$0x3FAE]  }
0x30: {  	s3 =	sld [smem:$0x3FB1]  }
0x31: {  	[smem:$0x3FBA] =	sst s10  }
0x32: {  	s10 =	sld [smem:$0x3FB8];
	_ =	sdelay $0x3  }
0x33: {  	p0 =	seq.s32 s10, $0x1;
	s10 =	sld [smem:$0x3FBA];
	_ =	sdelay $0x3  }
0x34: {  	[smem:$0x3FBA] =	sst s10  }
0x35: {  	s10 =	sld [smem:$0x3FB9];
	_ =	sdelay $0x3  }
0x36: {  	p1 =	seq.s32 s10, $0x1;
	s10 =	sld [smem:$0x3FBA];
	_ =	sdelay $0x3  }
0x37: {  	[smem:$0x3FBA] =	sst s10  }
0x38: {  	s10 =	sld [smem:$0x3FBB]  }
0x39: {  	_ = 	snop;
	(pc) =	sbr.ind lr, $3  }
0x3a: {  	_ = 	snop  }
0x3b: {  	_ = 	snop  }
0x3c: {  	p2 =	seq.s32 s10, $0x1;
	s10 =	sld [smem:$0x3FBA]  }
0x3d: {  	_ =	shalt  }
0x3e: {  	_ =	shalt  }
0x3f: {  	_ =	shalt  }
0x40: {  	_ =	shalt  }
0x41: {  	_ =	shalt  }
0x42: {  	_ =	shalt  }
0x43: {  	_ =	shalt  }
0x44: {  	_ =	shalt  }
0x45: {  	_ =	shalt  }
0x46: {  	_ =	shalt  }
0x47: {  	_ =	shalt  }
0x48: {  	_ =	shalt  }
0x49: {  	_ =	shalt  }
0x4a: {  	_ =	shalt  }
0x4b: {  	_ =	shalt  }
0x4c: {  	_ =	shalt  }
0x4d: {  	_ =	shalt  }
0x4e: {  	_ =	shalt  }
0x4f: {  	_ =	shalt  }
0x50: {  	_ =	shalt  }
0x51: {  	_ =	shalt  }
0x52: {  	_ =	shalt  }
0x53: {  	_ =	shalt  }
0x54: {  	_ =	shalt  }
0x55: {  	_ =	shalt  }
0x56: {  	_ =	shalt  }
0x57: {  	_ =	shalt  }
0x58: {  	_ =	shalt  }
0x59: {  	_ =	shalt  }
0x5a: {  	_ =	shalt  }
0x5b: {  	_ =	shalt  }
0x5c: {  	_ =	shalt  }
0x5d: {  	_ =	shalt  }
0x5e: {  	_ =	shalt  }
0x5f: {  	_ =	shalt  }
0x60: {  	_ =	shalt  }
0x61: {  	_ =	shalt  }
0x62: {  	_ =	shalt  }
0x63: {  	_ =	shalt  }
0x64: {  	_ =	shalt  }
0x65: {  	_ =	shalt  }
0x66: {  	_ =	shalt  }
0x67: {  	_ =	shalt  }
0x68: {  	_ =	shalt  }
0x69: {  	_ =	shalt  }
0x6a: {  	_ =	shalt  }
0x6b: {  	_ =	shalt  }
0x6c: {  	_ =	shalt  }
0x6d: {  	_ =	shalt  }
0x6e: {  	_ =	shalt  }
0x6f: {  	_ =	shalt  }
0x70: {  	_ =	shalt  }
0x71: {  	_ =	shalt  }
0x72: {  	_ =	shalt  }
0x73: {  	_ =	shalt  }
0x74: {  	_ =	shalt  }
0x75: {  	_ =	shalt  }
0x76: {  	_ =	shalt  }
0x77: {  	_ =	shalt  }
0x78: {  	_ =	shalt  }
0x79: {  	_ =	shalt  }
0x7a: {  	_ =	shalt  }
0x7b: {  	_ =	shalt  }
0x7c: {  	_ =	shalt  }
0x7d: {  	_ =	shalt  }
0x7e: {  	_ =	shalt  }
0x7f: {  	_ =	shalt  }
0x80: {  	_ =	shalt  }
0x81: {  	_ =	shalt  }
0x82: {  	_ =	shalt  }
0x83: {  	_ =	shalt  }
0x84: {  	_ =	shalt  }
0x85: {  	_ =	shalt  }
0x86: {  	_ =	shalt  }
0x87: {  	_ =	shalt  }
.Lfunc_end0:
.L_simem_size_0:
called_computation_lowered:
.L_overlay_start_0:
0x88: {  	s2 =	sld [smem:$0x3FD9]  }
0x89: {  	s3 =	sld [smem:$0x3FFE];
	_ =	sdelay $0x1  }
0x8a: {  	s1 =	srdreg.scid  }
0x8b: {  	s0 =	sand.u32 $0x1, s1  }
0x8c: {  	s14 =	sshll.u32 s0, $0xA;
	s2 =	sadd.s32 s3, s2  }
0x8d: {  	s2 =	sadd.s32 s2, s14  }
0x8e: {  	[smem:$0x3FC6] =	sst s2  }
0x8f: {  	_ = 	snop  }
0x90: {  	s2 =	sld [smem:$0x3FD0];
	_ =	sdelay $0x2  }
0x91: {  	s4 =	simm.s32 $0xA;
	s5 =	simm.s32 $0x10;
	s15 =	sld [smem:$0x3FC8]  }
0x92: {  	[smem:s5], [sflag:s4] =	dma.local [hbm:s2], $0x1  }
0x93: {  	_ =	swait.eq [sflag:s4], $0x1  }
0x94: {  	[sflag:s4] =	ssyncset.done $0x0  }
0x95: {  	[sflag:s4] =	ssyncadd.s32 $0xFFFFFFFF  }
0x96: {  	s16 =	sld [smem:$0x10];
	(tm) =	ssettm $0x1  }
0x97: {  	s17 =	sld [smem:$0x3FFB];
	_ =	sdelay $0x3  }
0x98: {  	_ =	strace s17  }
0x99: {  	s4 =	sld [smem:$0x3FFC];
	_ =	sdelay $0x3  }
0x9a: {  	_ =	strace s4  }
0x9b: {  	s4 =	sld [smem:$0x3FFD];
	_ =	sdelay $0x3  }
0x9c: {  	_ =	strace s4  }
0x9d: {  	_ =	strace $0x8FFFFFFF  }
0x9e: {  	s18 =	sld [smem:$0x3FDB];
	_ =	sdelay $0x1  }
0x9f: {  	s19 =	simm.s32 $_scs_section_size  }
0xa0: {  	s6 =	simm.s32 $_size__tile_overlayer_lowered;
	s7 =	simm.s32 $_tile_overlayer_lowered  }
0xa1: {  	s22 =	simm.s32 $0x1BFF;
	s21 =	sshll.u32 s7, $0x1;
	s4 =	sadd.s32 s19, s18  }
0xa2: {  	s8 =	simm.s32 $0x0;
	s20 =	sshll.u32 s6, $0x1;
	s6 =	sadd.s32 s21, s4  }
0xa3: {  	[timem:s8], [sflag:s22] =	dma.local [hbm:s6], s20  }
0xa4: {  	_ =	swait.ge [sflag:s22], s20  }
0xa5: {  	s5 =	ssub.s32 $0x0, s20;
	[sflag:s22] =	ssyncset.done $0x0  }
0xa6: {  	[sflag:s22] =	ssyncadd.s32 s5;
	_ =	sdelay $0x1  }
0xa7: {  	s23 =	simm.s32 $0x1B8B  }
0xa8: {  	_ =	swait.ge [sflag:s23], $0x1  }
0xa9: {  	[sflag:s23] =	ssyncset.done $0x0  }
0xaa: {  	s25 =	simm.s32 $0x1B8E;
	s24 =	sld [smem:$0x3FFE];
	[sflag:s23] =	ssyncadd.s32 $0xFFFFFFFF  }
0xab: {  	s26 =	simm.s32 $execute0_lowered;
	[smem:$0x3FD2] =	sst s25  }
0xac: {  	s6 =	sshll.u32 s26, $0x1;
	_ =	strace $0x80000046;
	[dreg:$0x1] =	wrdreg $0xFFFFFFFF  }
0xad: {  	s28 =	simm.s32 $_size_execute0_lowered;
	s4 =	sadd.s32 s4, s6;
	[dreg:$0x0] =	wrdreg $0x0  }
0xae: {  	s6 =	sshll.u32 s28, $0x1;
	[dreg:$0x2] =	wrdreg s4  }
0xaf: {  	[dreg:$0x3] =	wrdreg s6  }
0xb0: {  	[dreg:$0x4] =	wrdreg $0xC0  }
0xb1: {  	_ =	task [dreg:s8], $0x5FFFF  }
0xb2: {  	[dreg:$0x1] =	wrdreg $0xFFFFFFFF  }
0xb3: {  	[dreg:$0x0] =	wrdreg $0x60  }
0xb4: {  	[dreg:$0x2] =	wrdreg s15  }
0xb5: {  	[dreg:$0x3] =	wrdreg s24  }
0xb6: {  	[dreg:$0x4] =	wrdreg s16  }
0xb7: {  	[dreg:$0x5] =	wrdreg $0x9  }
0xb8: {  	_ =	task.clear_ibuf [dreg:s8], $0x6FFFF;
	_ =	strace $0x90000046  }
0xb9: {  	s29 =	simm.s32 $0x9;
	_ =	strace $0x80000048  }
0xba: {  	_ =	swait.ge [sflag:s29], $0x1  }
0xbb: {  	[sflag:s29] =	ssyncadd.s32 $0xFFFFFFFF  }
0xbc: {  	_ =	strace $0x90000048  }
0xbd: {  	_ =	sfence  }
0xbe: {  	s30 =	sld [smem:$0x0];
	_ =	sdelay $0x2  }
0xbf: {  	s31 =	sshll.u32 s1, $0xD;
	s1 =	sshrl.u32 s1, $0x2  }
0xc0: {  	s3 =	sand.u32 $0x4000, s31;
	s1 =	sadd.s32 s1, s30  }
0xc1: {  	s0 =	sor.u32 s3, s0;
	s1 =	sshll.u32 s1, $0x11  }
0xc2: {  	s0 =	sor.u32 s1, s0  }
0xc3: {  	s0 =	sadd.s32 $0x8F2B, s0  }
0xc4: {  	[sflag:s0] =	ssyncadd.remote.s32 $0x1  }
0xc5: {  	_ =	sfence.sel $0xFFFF  }
0xc6: {  	[dreg:$0x0] =	wrdreg $0xFFFFFFFF;
	(pc) =	sbr.abs _section_cstart, $3  }
0xc7: {  	[dreg:$0x1] =	wrdreg $0xFFFFFFFF  }
0xc8: {  	_ =	task.clear_ibuf [dreg:s8], $0x2FFFF;
	_ =	strace $0x9FFFFFFF  }
0xc9: {  	(tm) =	ssettm $0x7FFFFFFF  }
tec
execute0_lowered:
.L_overlay_start_1:
0x0: {  	(tag) =	ssettag $0x1  }
0x1: {  	s1 =	rddreg [dreg:$0x0]  }
0x2: {  	s0 =	rddreg [dreg:$0x1]  }
0x3: {  	s4 =	rddreg [dreg:$0x2]  }
0x4: {  	s3 =	srdreg.scid;
	s2 =	stileid.u32;
	s18 =	simm.s32 $0x80  }
0x5: {  	s19 =	simm.s32 $0x900;
	s20 =	simm.s32 $0x1100;
	s22 =	simm.s32 $0x1900  }
0x6: {  	s23 =	simm.s32 $0x2100;
	s24 =	simm.s32 $0x2900;
	s25 =	simm.s32 $0x3100  }
0x7: {  	s26 =	simm.s32 $0x3900;
	s5 =	sand.u32 $0x1, s3;
	s3 =	simm.s32 $0x0  }
0x8: {  	s10 =	simm.s32 $0x5900;
	s11 =	simm.s32 $0x6100;
	[smem:$0x7FF] =	sst s3  }
0x9: {  	s12 =	simm.s32 $0x6900;
	_ =	strace $0x80000047;
	[dreg:$0x8] =	wrdreg s18  }
0xa: {  	s13 =	simm.s32 $0x7100;
	s14 =	simm.s32 $0x7900;
	[dreg:$0x9] =	wrdreg s19  }
0xb: {  	s28 =	simm.s32 $0xE100;
	s29 =	simm.s32 $0xE900;
	[dreg:$0xa] =	wrdreg s20  }
0xc: {  	s30 =	simm.s32 $0xF100;
	s31 =	simm.s32 $0xF900;
	[dreg:$0xb] =	wrdreg s22  }
0xd: {  	s6 =	sshll.u32 s2, $0x9;
	s0 =	sadd.s32 $0xE00, s0;
	[dreg:$0xc] =	wrdreg s23  }
0xe: {  	s7 =	sshll.u32 s5, $0x8;
	s21 =	ssub.s32 $0x2, s5;
	[dreg:$0xd] =	wrdreg s24  }
0xf: {  	s6 =	sor.u32 s7, s6;
	s5 =	sshrl.u32 s21, $0x1;
	[dreg:$0xe] =	wrdreg s25  }
0x10: {  	[dreg:$0xf] =	wrdreg s26;
	s18 =	simm.s32 $0x9900;
	s19 =	simm.s32 $0xA100  }
0x11: {  	s20 =	simm.s32 $0xA900;
	s22 =	simm.s32 $0xB900;
	s23 =	simm.s32 $0xC100  }
0x12: {  	s24 =	simm.s32 $0xC900;
	s25 =	simm.s32 $0xD100;
	s26 =	simm.s32 $0xD900  }
0x13: {  	s7 =	sshrl.u32 s6, $0x3;
	s8 =	sor.u32 $0x80, s6;
	s6 =	sshll.u32 s6, $0x5  }
0x14: {  	s7 =	sadd.s32 s0, s7;
	s9 =	sshrl.u32 s8, $0x3;
	s15 =	sadd.s32 s4, s6  }
0x15: {  	s16 =	sshll.u32 s8, $0x5;
	s6 =	simm.s32 $0x100;
	[dreg:$0x4] =	wrdreg s7  }
0x16: {  	s8 =	simm.s32 $0x4900;
	s0 =	sadd.s32 s0, s9;
	[dreg:$0x6] =	wrdreg s15  }
0x17: {  	s17 =	sadd.s32 s4, s16;
	s4 =	ssub.s32 s21, s5;
	s5 =	simm.s32 $0x2  }
0x18: {  	v2 =	vlaneseq.u32;
	s9 =	simm.s32 $0x5100;
	s15 =	simm.s32 $0x8100;
	[dreg:$0x5] =	wrdreg s0  }
0x19: {  	vm0 =	vmmov $0xffff;
	v1 =	vshrl.u32 v2, $0x3;
	s16 =	simm.s32 $0x8900;
	s21 =	simm.s32 $0xB100;
	[dreg:$0x7] =	wrdreg s17  }
0x1a: {  	v0 =	vand.u32 $0x7, v2;
	v2 =	vor.u32 $0x8, v2;
	v1 =	vmul.u32 $0x8, v1;
	s4 =	smax.u32 s4, $0x1;
	s17 =	simm.s32 $0x9100;
	s0 =	simm.s32 $0x1  }
.LBB2_1:
0x1b: {  	s2 =	rddreg [dreg:$0x4]  }
0x1c: {  	[tilespmem:s3], [sflag:$0x2] =	stream.linear.gather [hbm4b:s2+s3], $0x80, $0x38;
	[tilespmem:$0x10100] =	vst v63  }
0x1d: {  	_ =	swait.ge [sflag:s5], $0x80  }
0x1e: {  	s2 =	rddreg [dreg:$0x5];
	[sflag:s5] =	ssyncset.done $0x0  }
0x1f: {  	s7 =	rddreg [dreg:$0x8];
	[sflag:s5] =	ssyncadd.s32 $0xFFFFFF80  }
0x20: {  	[tilespmem:s7], [sflag:$0x2] =	stream.linear.gather [hbm4b:s2+s3], $0x80, $0x38;
	[tilespmem:$0x10100] =	vst v63  }
0x21: {  	_ =	swait.ge [sflag:s5], $0x80  }
0x22: {  	[sflag:s5] =	ssyncset.done $0x0  }
0x23: {  	[sflag:s5] =	ssyncadd.s32 $0xFFFFFF80  }
0x24: {  	v3 =	vld [tilespmem:$0x0];
	_ =	sdelay $0x4  }
0x25: {  	v4 =	vshll.u32 v3, $0x1  }
0x26: {  	v3 =	vand.u32 $0x7, v3;
	v4 =	vand.u32 $0xFFFFFFF0, v4  }
0x27: {  	v3 =	vor.u32 v3, v4  }
0x28: {  	v4 =	vperm.xlane v3, v0;
	_ =	sdelay $0x1  }
0x29: {  	v3 =	vperm.xlane v3, v2;
	v4 =	vadd.s32 v1, v4;
	_ =	sdelay $0x1  }
0x2a: {  	v3 =	vadd.s32 v1, v3;
	_ =	sdelay $0x2  }
0x2b: {  	[tilespmem:s6], [sflag:$0x1] =	stream.indirect_vreg.gather [hbm4b:s1+s3], $0x80, v4, vm0, $0xb8;
	[tilespmem:$0x10100] =	vst v63  }
0x2c: {  	s7 =	rddreg [dreg:$0x9]  }
0x2d: {  	[tilespmem:s7], [sflag:$0x1] =	stream.indirect_vreg.gather [hbm4b:s1+s3], $0x80, v3, vm0, $0xb8;
	[tilespmem:$0x10100] =	vst v63  }
0x2e: {  	v3 =	vld [tilespmem:$0x10];
	_ =	sdelay $0x4  }
0x2f: {  	v49 =	vshll.u32 v3, $0x1  }
0x30: {  	v3 =	vand.u32 $0x7, v3;
	v4 =	vand.u32 $0xFFFFFFF0, v49  }
0x31: {  	v3 =	vor.u32 v3, v4  }
0x32: {  	v4 =	vperm.xlane v3, v0;
	_ =	sdelay $0x1  }
0x33: {  	v3 =	vperm.xlane v3, v2;
	v4 =	vadd.s32 v1, v4;
	_ =	sdelay $0x1  }
0x34: {  	v3 =	vadd.s32 v1, v3;
	_ =	sdelay $0x1  }
0x35: {  	s2 =	rddreg [dreg:$0xa]  }
0x36: {  	[tilespmem:s2], [sflag:$0x1] =	stream.indirect_vreg.gather [hbm4b:s1+s3], $0x80, v4, vm0, $0xb8;
	[tilespmem:$0x10100] =	vst v63  }
0x37: {  	s7 =	rddreg [dreg:$0xb]  }
0x38: {  	[tilespmem:s7], [sflag:$0x1] =	stream.indirect_vreg.gather [hbm4b:s1+s3], $0x80, v3, vm0, $0xb8;
	[tilespmem:$0x10100] =	vst v63  }
0x39: {  	v3 =	vld [tilespmem:$0x20];
	_ =	sdelay $0x4  }
0x3a: {  	v50 =	vshll.u32 v3, $0x1  }
0x3b: {  	v3 =	vand.u32 $0x7, v3;
	v4 =	vand.u32 $0xFFFFFFF0, v50  }
0x3c: {  	v3 =	vor.u32 v3, v4  }
0x3d: {  	v4 =	vperm.xlane v3, v0;
	_ =	sdelay $0x1  }
0x3e: {  	v3 =	vperm.xlane v3, v2;
	v4 =	vadd.s32 v1, v4;
	_ =	sdelay $0x1  }
0x3f: {  	v3 =	vadd.s32 v1, v3;
	_ =	sdelay $0x1  }
0x40: {  	s2 =	rddreg [dreg:$0xc]  }
0x41: {  	[tilespmem:s2], [sflag:$0x1] =	stream.indirect_vreg.gather [hbm4b:s1+s3], $0x80, v4, vm0, $0xb8;
	[tilespmem:$0x10100] =	vst v63  }
0x42: {  	s7 =	rddreg [dreg:$0xd]  }
0x43: {  	[tilespmem:s7], [sflag:$0x1] =	stream.indirect_vreg.gather [hbm4b:s1+s3], $0x80, v3, vm0, $0xb8;
	[tilespmem:$0x10100] =	vst v63  }
0x44: {  	v3 =	vld [tilespmem:$0x30];
	_ =	sdelay $0x4  }
0x45: {  	v51 =	vshll.u32 v3, $0x1  }
0x46: {  	v3 =	vand.u32 $0x7, v3;
	v4 =	vand.u32 $0xFFFFFFF0, v51  }
0x47: {  	v3 =	vor.u32 v3, v4  }
0x48: {  	v4 =	vperm.xlane v3, v0;
	_ =	sdelay $0x1  }
0x49: {  	v3 =	vperm.xlane v3, v2;
	v4 =	vadd.s32 v1, v4;
	_ =	sdelay $0x1  }
0x4a: {  	v3 =	vadd.s32 v1, v3;
	_ =	sdelay $0x1  }
0x4b: {  	s2 =	rddreg [dreg:$0xe]  }
0x4c: {  	[tilespmem:s2], [sflag:$0x1] =	stream.indirect_vreg.gather [hbm4b:s1+s3], $0x80, v4, vm0, $0xb8;
	[tilespmem:$0x10100] =	vst v63  }
0x4d: {  	s7 =	rddreg [dreg:$0xf]  }
0x4e: {  	[tilespmem:s7], [sflag:$0x1] =	stream.indirect_vreg.gather [hbm4b:s1+s3], $0x80, v3, vm0, $0xb8;
	[tilespmem:$0x10100] =	vst v63  }
0x4f: {  	v3 =	vld [tilespmem:$0x40];
	_ =	sdelay $0x4  }
0x50: {  	v52 =	vshll.u32 v3, $0x1  }
0x51: {  	v3 =	vand.u32 $0x7, v3;
	v4 =	vand.u32 $0xFFFFFFF0, v52  }
0x52: {  	v3 =	vor.u32 v3, v4  }
0x53: {  	v4 =	vperm.xlane v3, v0;
	_ =	sdelay $0x1  }
0x54: {  	v3 =	vperm.xlane v3, v2;
	v4 =	vadd.s32 v1, v4;
	_ =	sdelay $0x1  }
0x55: {  	v3 =	vadd.s32 v1, v3;
	_ =	sdelay $0x1  }
0x56: {  	s7 =	simm.s32 $0x4100  }
0x57: {  	[tilespmem:s7], [sflag:$0x1] =	stream.indirect_vreg.gather [hbm4b:s1+s3], $0x80, v4, vm0, $0xb8;
	[tilespmem:$0x10100] =	vst v63  }
0x58: {  	_ = 	snop  }
0x59: {  	[tilespmem:s8], [sflag:$0x1] =	stream.indirect_vreg.gather [hbm4b:s1+s3], $0x80, v3, vm0, $0xb8;
	[tilespmem:$0x10100] =	vst v63  }
0x5a: {  	v3 =	vld [tilespmem:$0x50];
	_ =	sdelay $0x4  }
0x5b: {  	v53 =	vshll.u32 v3, $0x1  }
0x5c: {  	v3 =	vand.u32 $0x7, v3;
	v4 =	vand.u32 $0xFFFFFFF0, v53  }
0x5d: {  	v3 =	vor.u32 v3, v4  }
0x5e: {  	v4 =	vperm.xlane v3, v0;
	_ =	sdelay $0x1  }
0x5f: {  	v3 =	vperm.xlane v3, v2;
	v4 =	vadd.s32 v1, v4;
	_ =	sdelay $0x1  }
0x60: {  	v3 =	vadd.s32 v1, v3;
	_ =	sdelay $0x2  }
0x61: {  	[tilespmem:s9], [sflag:$0x1] =	stream.indirect_vreg.gather [hbm4b:s1+s3], $0x80, v4, vm0, $0xb8;
	[tilespmem:$0x10100] =	vst v63  }
0x62: {  	_ = 	snop  }
0x63: {  	[tilespmem:s10], [sflag:$0x1] =	stream.indirect_vreg.gather [hbm4b:s1+s3], $0x80, v3, vm0, $0xb8;
	[tilespmem:$0x10100] =	vst v63  }
0x64: {  	v3 =	vld [tilespmem:$0x60];
	_ =	sdelay $0x4  }
0x65: {  	v54 =	vshll.u32 v3, $0x1  }
0x66: {  	v3 =	vand.u32 $0x7, v3;
	v4 =	vand.u32 $0xFFFFFFF0, v54  }
0x67: {  	v3 =	vor.u32 v3, v4  }
0x68: {  	v4 =	vperm.xlane v3, v0;
	_ =	sdelay $0x1  }
0x69: {  	v3 =	vperm.xlane v3, v2;
	v4 =	vadd.s32 v1, v4;
	_ =	sdelay $0x1  }
0x6a: {  	v3 =	vadd.s32 v1, v3;
	_ =	sdelay $0x2  }
0x6b: {  	[tilespmem:s11], [sflag:$0x1] =	stream.indirect_vreg.gather [hbm4b:s1+s3], $0x80, v4, vm0, $0xb8;
	[tilespmem:$0x10100] =	vst v63  }
0x6c: {  	_ = 	snop  }
0x6d: {  	[tilespmem:s12], [sflag:$0x1] =	stream.indirect_vreg.gather [hbm4b:s1+s3], $0x80, v3, vm0, $0xb8;
	[tilespmem:$0x10100] =	vst v63  }
0x6e: {  	v3 =	vld [tilespmem:$0x70];
	_ =	sdelay $0x4  }
0x6f: {  	v55 =	vshll.u32 v3, $0x1  }
0x70: {  	v3 =	vand.u32 $0x7, v3;
	v4 =	vand.u32 $0xFFFFFFF0, v55  }
0x71: {  	v3 =	vor.u32 v3, v4  }
0x72: {  	v4 =	vperm.xlane v3, v0;
	_ =	sdelay $0x1  }
0x73: {  	v3 =	vperm.xlane v3, v2;
	v4 =	vadd.s32 v1, v4;
	_ =	sdelay $0x1  }
0x74: {  	v3 =	vadd.s32 v1, v3;
	_ =	sdelay $0x2  }
0x75: {  	[tilespmem:s13], [sflag:$0x1] =	stream.indirect_vreg.gather [hbm4b:s1+s3], $0x80, v4, vm0, $0xb8;
	[tilespmem:$0x10100] =	vst v63  }
0x76: {  	_ = 	snop  }
0x77: {  	[tilespmem:s14], [sflag:$0x1] =	stream.indirect_vreg.gather [hbm4b:s1+s3], $0x80, v3, vm0, $0xb8;
	[tilespmem:$0x10100] =	vst v63  }
0x78: {  	v3 =	vld [tilespmem:$0x80];
	_ =	sdelay $0x4  }
0x79: {  	v56 =	vshll.u32 v3, $0x1  }
0x7a: {  	v3 =	vand.u32 $0x7, v3;
	v4 =	vand.u32 $0xFFFFFFF0, v56  }
0x7b: {  	v3 =	vor.u32 v3, v4  }
0x7c: {  	v4 =	vperm.xlane v3, v0;
	_ =	sdelay $0x1  }
0x7d: {  	v3 =	vperm.xlane v3, v2;
	v4 =	vadd.s32 v1, v4;
	_ =	sdelay $0x1  }
0x7e: {  	v3 =	vadd.s32 v1, v3;
	_ =	sdelay $0x2  }
0x7f: {  	[tilespmem:s15], [sflag:$0x1] =	stream.indirect_vreg.gather [hbm4b:s1+s3], $0x80, v4, vm0, $0xb8;
	[tilespmem:$0x10100] =	vst v63  }
0x80: {  	_ = 	snop  }
0x81: {  	[tilespmem:s16], [sflag:$0x1] =	stream.indirect_vreg.gather [hbm4b:s1+s3], $0x80, v3, vm0, $0xb8;
	[tilespmem:$0x10100] =	vst v63  }
0x82: {  	v3 =	vld [tilespmem:$0x90];
	_ =	sdelay $0x4  }
0x83: {  	v57 =	vshll.u32 v3, $0x1  }
0x84: {  	v3 =	vand.u32 $0x7, v3;
	v4 =	vand.u32 $0xFFFFFFF0, v57  }
0x85: {  	v3 =	vor.u32 v3, v4  }
0x86: {  	v4 =	vperm.xlane v3, v0;
	_ =	sdelay $0x1  }
0x87: {  	v3 =	vperm.xlane v3, v2;
	v4 =	vadd.s32 v1, v4;
	_ =	sdelay $0x1  }
0x88: {  	v3 =	vadd.s32 v1, v3;
	_ =	sdelay $0x2  }
0x89: {  	[tilespmem:s17], [sflag:$0x1] =	stream.indirect_vreg.gather [hbm4b:s1+s3], $0x80, v4, vm0, $0xb8;
	[tilespmem:$0x10100] =	vst v63  }
0x8a: {  	_ = 	snop  }
0x8b: {  	[tilespmem:s18], [sflag:$0x1] =	stream.indirect_vreg.gather [hbm4b:s1+s3], $0x80, v3, vm0, $0xb8;
	[tilespmem:$0x10100] =	vst v63  }
0x8c: {  	v3 =	vld [tilespmem:$0xA0];
	_ =	sdelay $0x4  }
0x8d: {  	v58 =	vshll.u32 v3, $0x1  }
0x8e: {  	v3 =	vand.u32 $0x7, v3;
	v4 =	vand.u32 $0xFFFFFFF0, v58  }
0x8f: {  	v3 =	vor.u32 v3, v4  }
0x90: {  	v4 =	vperm.xlane v3, v0;
	_ =	sdelay $0x1  }
0x91: {  	v3 =	vperm.xlane v3, v2;
	v4 =	vadd.s32 v1, v4;
	_ =	sdelay $0x1  }
0x92: {  	v3 =	vadd.s32 v1, v3;
	_ =	sdelay $0x2  }
0x93: {  	[tilespmem:s19], [sflag:$0x1] =	stream.indirect_vreg.gather [hbm4b:s1+s3], $0x80, v4, vm0, $0xb8;
	[tilespmem:$0x10100] =	vst v63  }
0x94: {  	_ = 	snop  }
0x95: {  	[tilespmem:s20], [sflag:$0x1] =	stream.indirect_vreg.gather [hbm4b:s1+s3], $0x80, v3, vm0, $0xb8;
	[tilespmem:$0x10100] =	vst v63  }
0x96: {  	v3 =	vld [tilespmem:$0xB0];
	_ =	sdelay $0x4  }
0x97: {  	v59 =	vshll.u32 v3, $0x1  }
0x98: {  	v3 =	vand.u32 $0x7, v3;
	v4 =	vand.u32 $0xFFFFFFF0, v59  }
0x99: {  	v3 =	vor.u32 v3, v4  }
0x9a: {  	v4 =	vperm.xlane v3, v0;
	_ =	sdelay $0x1  }
0x9b: {  	v3 =	vperm.xlane v3, v2;
	v4 =	vadd.s32 v1, v4;
	_ =	sdelay $0x1  }
0x9c: {  	v3 =	vadd.s32 v1, v3;
	_ =	sdelay $0x2  }
0x9d: {  	[tilespmem:s21], [sflag:$0x1] =	stream.indirect_vreg.gather [hbm4b:s1+s3], $0x80, v4, vm0, $0xb8;
	[tilespmem:$0x10100] =	vst v63  }
0x9e: {  	_ = 	snop  }
0x9f: {  	[tilespmem:s22], [sflag:$0x1] =	stream.indirect_vreg.gather [hbm4b:s1+s3], $0x80, v3, vm0, $0xb8;
	[tilespmem:$0x10100] =	vst v63  }
0xa0: {  	v3 =	vld [tilespmem:$0xC0];
	_ =	sdelay $0x4  }
0xa1: {  	v60 =	vshll.u32 v3, $0x1  }
0xa2: {  	v3 =	vand.u32 $0x7, v3;
	v4 =	vand.u32 $0xFFFFFFF0, v60  }
0xa3: {  	v3 =	vor.u32 v3, v4  }
0xa4: {  	v4 =	vperm.xlane v3, v0;
	_ =	sdelay $0x1  }
0xa5: {  	v3 =	vperm.xlane v3, v2;
	v4 =	vadd.s32 v1, v4;
	_ =	sdelay $0x1  }
0xa6: {  	v3 =	vadd.s32 v1, v3;
	_ =	sdelay $0x2  }
0xa7: {  	[tilespmem:s23], [sflag:$0x1] =	stream.indirect_vreg.gather [hbm4b:s1+s3], $0x80, v4, vm0, $0xb8;
	[tilespmem:$0x10100] =	vst v63  }
0xa8: {  	_ = 	snop  }
0xa9: {  	[tilespmem:s24], [sflag:$0x1] =	stream.indirect_vreg.gather [hbm4b:s1+s3], $0x80, v3, vm0, $0xb8;
	[tilespmem:$0x10100] =	vst v63  }
0xaa: {  	v3 =	vld [tilespmem:$0xD0];
	_ =	sdelay $0x4  }
0xab: {  	v61 =	vshll.u32 v3, $0x1  }
0xac: {  	v3 =	vand.u32 $0x7, v3;
	v4 =	vand.u32 $0xFFFFFFF0, v61  }
0xad: {  	v3 =	vor.u32 v3, v4  }
0xae: {  	v4 =	vperm.xlane v3, v0;
	_ =	sdelay $0x1  }
0xaf: {  	v3 =	vperm.xlane v3, v2;
	v4 =	vadd.s32 v1, v4;
	_ =	sdelay $0x1  }
0xb0: {  	v3 =	vadd.s32 v1, v3;
	_ =	sdelay $0x2  }
0xb1: {  	[tilespmem:s25], [sflag:$0x1] =	stream.indirect_vreg.gather [hbm4b:s1+s3], $0x80, v4, vm0, $0xb8;
	[tilespmem:$0x10100] =	vst v63  }
0xb2: {  	_ = 	snop  }
0xb3: {  	[tilespmem:s26], [sflag:$0x1] =	stream.indirect_vreg.gather [hbm4b:s1+s3], $0x80, v3, vm0, $0xb8;
	[tilespmem:$0x10100] =	vst v63  }
0xb4: {  	v3 =	vld [tilespmem:$0xE0];
	_ =	sdelay $0x4  }
0xb5: {  	v62 =	vshll.u32 v3, $0x1  }
0xb6: {  	v3 =	vand.u32 $0x7, v3;
	v4 =	vand.u32 $0xFFFFFFF0, v62  }
0xb7: {  	v3 =	vor.u32 v3, v4  }
0xb8: {  	v4 =	vperm.xlane v3, v0;
	_ =	sdelay $0x1  }
0xb9: {  	v3 =	vperm.xlane v3, v2;
	v4 =	vadd.s32 v1, v4;
	_ =	sdelay $0x1  }
0xba: {  	v3 =	vadd.s32 v1, v3;
	_ =	sdelay $0x2  }
0xbb: {  	[tilespmem:s28], [sflag:$0x1] =	stream.indirect_vreg.gather [hbm4b:s1+s3], $0x80, v4, vm0, $0xb8;
	[tilespmem:$0x10100] =	vst v63  }
0xbc: {  	_ = 	snop  }
0xbd: {  	[tilespmem:s29], [sflag:$0x1] =	stream.indirect_vreg.gather [hbm4b:s1+s3], $0x80, v3, vm0, $0xb8;
	[tilespmem:$0x10100] =	vst v63  }
0xbe: {  	v3 =	vld [tilespmem:$0xF0];
	_ =	sdelay $0x4  }
0xbf: {  	v63 =	vshll.u32 v3, $0x1  }
0xc0: {  	v3 =	vand.u32 $0x7, v3;
	v4 =	vand.u32 $0xFFFFFFF0, v63  }
0xc1: {  	v3 =	vor.u32 v3, v4  }
0xc2: {  	v4 =	vperm.xlane v3, v0;
	_ =	sdelay $0x1  }
0xc3: {  	v3 =	vperm.xlane v3, v2;
	v4 =	vadd.s32 v1, v4;
	_ =	sdelay $0x1  }
0xc4: {  	v3 =	vadd.s32 v1, v3;
	_ =	sdelay $0x2  }
0xc5: {  	[tilespmem:s30], [sflag:$0x1] =	stream.indirect_vreg.gather [hbm4b:s1+s3], $0x80, v4, vm0, $0xb8;
	[tilespmem:$0x10100] =	vst v63  }
0xc6: {  	_ = 	snop  }
0xc7: {  	[tilespmem:s31], [sflag:$0x1] =	stream.indirect_vreg.gather [hbm4b:s1+s3], $0x80, v3, vm0, $0xb8;
	[tilespmem:$0x10100] =	vst v63  }
0xc8: {  	_ =	swait.ge [sflag:s0], $0x8000  }
0xc9: {  	[sflag:s0] =	ssyncset.done $0x0  }
0xca: {  	[sflag:s0] =	ssyncadd.s32 $0xFFFF8000  }
0xcb: {  	_ =	swait.ge [sflag:s0], $0x8000  }
0xcc: {  	[sflag:s0] =	ssyncset.done $0x0  }
0xcd: {  	s7 =	rddreg [dreg:$0x6];
	[sflag:s0] =	ssyncadd.s32 $0xFFFF8000  }
0xce: {  	[hbm4b:s7+s3] =	stream.linear.scatter [tilespmem:s6], [sflag:$0x2], $0x8000, $0x38;
	[tilespmem:$0x10100] =	vst v63  }
0xcf: {  	_ =	swait.ge [sflag:s5], $0x8000  }
0xd0: {  	p0 =	sne.s32 s4, $0x1;
	[sflag:s5] =	ssyncset.done $0x0  }
.Ltmp0:
0xd1: {  	s7 =	rddreg [dreg:$0x7];
	[sflag:s5] =	ssyncadd.s32 $0xFFFF8000;
	(pc) =	sbr.rel @p0 .LBB2_1-.Ltmp0, $4  }
0xd2: {  	[hbm4b:s7+s3] =	stream.linear.scatter [tilespmem:s15], [sflag:$0x2], $0x8000, $0x38;
	[tilespmem:$0x10100] =	vst v63  }
0xd3: {  	_ =	swait.ge [sflag:s5], $0x8000  }
0xd4: {  	[sflag:s5] =	ssyncset.done $0x0  }
0xd5: {  	s4 =	sadd.s32 $0xFFFFFFFF, s4;
	[sflag:s5] =	ssyncadd.s32 $0xFFFF8000  }
0xd6: {  	_ =	sfence.sel $0x180000  }
0xd7: {  	[bflag:$0x0] =	sbarrier.arrive $0xFFFF  }
0xd8: {  	_ =	strace $0x90000047  }
0xd9: {  	s0 =	stileid.u32;
	[bflag:$0x2] =	sbarrier.arrive $0xFFFF  }
0xda: {  	p0 =	sne.s32 s0, $0x0;
	s0 =	rddreg [dreg:$0x3]  }
0xdb: {  	s0 =	sadd.s32 @!p0 $0x100000, s0  }
0xdc: {  	[sflag:s0] =	ssyncadd.tile.s32 @!p0 $0x1;
	_ =	shalt  }
.Lfunc_end2:
_tile_overlayer_lowered:
.L_overlay_start_2:
0xdd: {  	(tag) =	ssettag $0x2  }
0xde: {  	s0 =	rddreg [dreg:$0x0];
	s2 =	stileid.u32  }
0xdf: {  	s1 =	rddreg [dreg:$0x1];
	p0 =	sne.s32 s2, $0x0  }
0xe0: {  	s3 =	rddreg [dreg:$0x2];
	[bflag:$0x3] =	sbarrier.arrive $0xFFFF;
	s2 =	simm.s32 @!p0 $0x1C02  }
0xe1: {  	[timem:s3], [sflag:s2] =	dma.local @!p0 [hbm:s0], s1  }
0xe2: {  	s0 =	simm.s32 @!p0 $0x2  }
0xe3: {  	_ =	swait.ge @!p0 [sflag:s0], s1  }
0xe4: {  	s1 =	ssub.s32 @!p0 $0x0, s1;
	[sflag:s0] =	ssyncset.done @!p0 $0x0  }
0xe5: {  	[sflag:s0] =	ssyncadd.s32 @!p0 s1  }
0xe6: {  	[bflag:$0x3] =	sbarrier.arrive $0xFFFF  }
0xe7: {  	_ =	shalt  }

</sc_bundles>
